<compile_context>
chip_gen: v7x
topology: tpu7x:2x2x1
jax: 0.10.2.dev20260603
libtpu: 0.0.44.dev20260713+nightly
codegen_flags: <defaults>
</compile_context>

<pallas_src>
import functools

import jax
import jax.numpy as jnp
from jax import lax
from jax.experimental import pallas as pl
from jax.experimental.pallas import tpu as pltpu
from jax.experimental.pallas import tpu_sc as plsc

_HIDDEN = 128
_N = 100000
_NC = 2
_NS = 16
_NW = _NC * _NS
_RPW = _N // _NW
_B = 80
_NB = 39
_SLAB = 3128
_NSETS = 4
_LANES = 16


def _bound(w):
    return pl.multiple_of(((w * _RPW + 4) >> 3) << 3, 8)


def _sc_body(x_hbm, ind_hbm, outd_hbm, int_hbm, outt_hbm, o_hbm,
             slab_in, slab_out, rows_in, rows_out, xbuf, sem_g, sem_s):
    wid = lax.axis_index("s") * _NC + lax.axis_index("c")
    s0 = _bound(wid)
    cnt = _bound(wid + 1) - s0

    pltpu.async_copy(ind_hbm.at[pl.ds(s0, _SLAB)], slab_in, sem_g[0])
    pltpu.async_copy(outd_hbm.at[pl.ds(s0, _SLAB)], slab_out, sem_g[1])
    pltpu.make_async_copy(ind_hbm.at[pl.ds(s0, _SLAB)], slab_in,
                          sem_g[0]).wait()
    pltpu.make_async_copy(outd_hbm.at[pl.ds(s0, _SLAB)], slab_out,
                          sem_g[1]).wait()

    def prep(m, s):
        pltpu.async_copy(
            int_hbm.at[slab_in.at[pl.ds(m * _B, _B)]], rows_in[s], sem_g[s])
        pltpu.async_copy(
            outt_hbm.at[slab_out.at[pl.ds(m * _B, _B)]], rows_out[s], sem_g[s])
        pltpu.async_copy(x_hbm.at[pl.ds(s0 + m * _B, _B)], xbuf[s], sem_g[s])

    def wait_gathers(s):
        pltpu.make_async_copy(int_hbm.at[slab_in.at[pl.ds(0, _B)]],
                              rows_in[s], sem_g[s]).wait()
        pltpu.make_async_copy(outt_hbm.at[slab_out.at[pl.ds(0, _B)]],
                              rows_out[s], sem_g[s]).wait()
        pltpu.make_async_copy(x_hbm.at[pl.ds(s0, _B)], xbuf[s], sem_g[s]).wait()

    def start_store(m, s):
        pltpu.async_copy(xbuf[s], o_hbm.at[pl.ds(s0 + m * _B, _B)], sem_s[s])

    def wait_store(s):
        pltpu.make_async_copy(xbuf[s], o_hbm.at[pl.ds(s0, _B)], sem_s[s]).wait()

    def add_block(s, nrows):
        xb, ri, ro = xbuf[s], rows_in[s], rows_out[s]

        def row_fn(i, c):
            for j in range(_HIDDEN // _LANES):
                sl = pl.ds(j * _LANES, _LANES)
                xb[i, sl] = xb[i, sl] + ri[i, sl] + ro[i, sl]
            return c

        lax.fori_loop(0, nrows, row_fn, 0)

    prep(0, 0)
    prep(1, 1)

    def outer(t, carry):
        for j in range(_NSETS):
            k = t * _NSETS + j
            s = j
            s2 = (j + 2) % _NSETS

            @pl.when(k + 2 < _NB)
            def _():
                @pl.when(k >= 2)
                def _():
                    wait_store(s2)
                prep(k + 2, s2)

            @pl.when(k < _NB)
            def _():
                wait_gathers(s)
                add_block(s, _B)
                start_store(k, s)
        return carry

    lax.fori_loop(0, (_NB + _NSETS - 1) // _NSETS, outer, 0)

    for s in range(_NSETS):
        wait_store(s)

    @pl.when(cnt == _SLAB)
    def _():
        voff = _NB * _B
        pltpu.async_copy(
            int_hbm.at[slab_in.at[pl.ds(voff, 8)]],
            rows_in[0].at[pl.ds(0, 8)], sem_g[0])
        pltpu.async_copy(
            outt_hbm.at[slab_out.at[pl.ds(voff, 8)]],
            rows_out[0].at[pl.ds(0, 8)], sem_g[0])
        pltpu.async_copy(
            x_hbm.at[pl.ds(s0 + voff, 8)], xbuf[0].at[pl.ds(0, 8)], sem_g[0])
        pltpu.make_async_copy(int_hbm.at[slab_in.at[pl.ds(0, 8)]],
                              rows_in[0].at[pl.ds(0, 8)], sem_g[0]).wait()
        pltpu.make_async_copy(outt_hbm.at[slab_out.at[pl.ds(0, 8)]],
                              rows_out[0].at[pl.ds(0, 8)], sem_g[0]).wait()
        pltpu.make_async_copy(x_hbm.at[pl.ds(s0, 8)],
                              xbuf[0].at[pl.ds(0, 8)], sem_g[0]).wait()
        add_block(0, 8)
        pltpu.sync_copy(xbuf[0].at[pl.ds(0, 8)],
                        o_hbm.at[pl.ds(s0 + voff, 8)])


@functools.partial(
    pl.kernel,
    mesh=plsc.VectorSubcoreMesh(core_axis_name="c", subcore_axis_name="s"),
    out_type=jax.ShapeDtypeStruct((_N, _HIDDEN), jnp.float32),
    scratch_types=[
        pltpu.VMEM((_SLAB,), jnp.int32),
        pltpu.VMEM((_SLAB,), jnp.int32),
        [pltpu.VMEM((_B, _HIDDEN), jnp.float32) for _ in range(_NSETS)],
        [pltpu.VMEM((_B, _HIDDEN), jnp.float32) for _ in range(_NSETS)],
        [pltpu.VMEM((_B, _HIDDEN), jnp.float32) for _ in range(_NSETS)],
        [pltpu.SemaphoreType.DMA for _ in range(_NSETS)],
        [pltpu.SemaphoreType.DMA for _ in range(_NSETS)],
    ],
)
def _centrality_sc(x, ind, outd, int_t, outt, o,
                   slab_in, slab_out, rows_in, rows_out, xbuf, sem_g, sem_s):
    _sc_body(x, ind, outd, int_t, outt, o,
             slab_in, slab_out, rows_in, rows_out, xbuf, sem_g, sem_s)


def kernel(x, in_degree, out_degree, in_table, out_table):
    return _centrality_sc(
        x,
        in_degree.astype(jnp.int32),
        out_degree.astype(jnp.int32),
        in_table,
        out_table,
    )

# --- scband reference (transcript-rebuilt; emitter-appended) ---
"""Pipeline reference for scband-centrality-encoding-layer-20246475833911 (READ-ONLY COPY).

The authoritative reference and input builder live on the scoring server;
editing this copy changes nothing except your own understanding.
"""

import jax, jax.numpy as jnp
import numpy as np

HIDDEN_DIM = 128
NUM_IN_DEGREE = 512
NUM_OUT_DEGREE = 512
N_NODES = 100000

def setup_inputs(seed: int = 0) -> dict:
    key = jax.random.key(seed)
    k1, k2, k3, k4, k5 = jax.random.split(key, 5)
    x = jax.random.normal(k1, (N_NODES, HIDDEN_DIM), dtype=jnp.float32)
    in_degree = jax.random.randint(k2, (N_NODES,), 0, 512, dtype=jnp.int64)
    out_degree = jax.random.randint(k3, (N_NODES,), 0, 512, dtype=jnp.int64)
    # nn.Embedding default init: N(0,1); padding_idx=0 row zeroed at init
    in_table = jax.random.normal(k4, (NUM_IN_DEGREE + 1, HIDDEN_DIM), dtype=jnp.float32)
    in_table = in_table.at[0].set(0.0)
    out_table = jax.random.normal(k5, (NUM_OUT_DEGREE + 1, HIDDEN_DIM), dtype=jnp.float32)
    out_table = out_table.at[0].set(0.0)
    return {"x": x, "in_degree": in_degree, "out_degree": out_degree,
            "in_table": in_table, "out_table": out_table}

def reference(x, in_degree, out_degree, in_table, out_table):
    in_deg_emb = jnp.take(in_table, in_degree.astype(jnp.int32), axis=0)
    out_deg_emb = jnp.take(out_table, out_degree.astype(jnp.int32), axis=0)
    # note: the torch code clamps in_degree/out_degree after the lookup,
    # but the clamped values are unused locals; output is x + embeddings
    return x + in_deg_emb + out_deg_emb

if __name__ == "__main__":
    import jax
    _d = setup_inputs()
    print(jax.jit(kernel)(*tuple(_d.values())))

</pallas_src>

<mosaic_0001>
#map = affine_map<(d0, d1) -> (0, 0)>
#map1 = affine_map<(d0, d1) -> (0)>
module attributes {stable_mosaic.version = 14 : i64} {
  func.func @_centrality_sc(%arg0: i32, %arg1: i32, %arg2: memref<100000x128xf32, #tpu.memory_space<hbm>>, %arg3: memref<100000xi32, #tpu.memory_space<hbm>>, %arg4: memref<100000xi32, #tpu.memory_space<hbm>>, %arg5: memref<513x128xf32, #tpu.memory_space<hbm>>, %arg6: memref<513x128xf32, #tpu.memory_space<hbm>>, %arg7: memref<100000x128xf32, #tpu.memory_space<hbm>>, %arg8: memref<3128xi32, #tpu.memory_space<vmem>>, %arg9: memref<3128xi32, #tpu.memory_space<vmem>>, %arg10: memref<80x128xf32, #tpu.memory_space<vmem>>, %arg11: memref<80x128xf32, #tpu.memory_space<vmem>>, %arg12: memref<80x128xf32, #tpu.memory_space<vmem>>, %arg13: memref<80x128xf32, #tpu.memory_space<vmem>>, %arg14: memref<80x128xf32, #tpu.memory_space<vmem>>, %arg15: memref<80x128xf32, #tpu.memory_space<vmem>>, %arg16: memref<80x128xf32, #tpu.memory_space<vmem>>, %arg17: memref<80x128xf32, #tpu.memory_space<vmem>>, %arg18: memref<80x128xf32, #tpu.memory_space<vmem>>, %arg19: memref<80x128xf32, #tpu.memory_space<vmem>>, %arg20: memref<80x128xf32, #tpu.memory_space<vmem>>, %arg21: memref<80x128xf32, #tpu.memory_space<vmem>>, %arg22: memref<!tpu.dma_semaphore, #tpu.memory_space<semaphore_mem>>, %arg23: memref<!tpu.dma_semaphore, #tpu.memory_space<semaphore_mem>>, %arg24: memref<!tpu.dma_semaphore, #tpu.memory_space<semaphore_mem>>, %arg25: memref<!tpu.dma_semaphore, #tpu.memory_space<semaphore_mem>>, %arg26: memref<!tpu.dma_semaphore, #tpu.memory_space<semaphore_mem>>, %arg27: memref<!tpu.dma_semaphore, #tpu.memory_space<semaphore_mem>>, %arg28: memref<!tpu.dma_semaphore, #tpu.memory_space<semaphore_mem>>, %arg29: memref<!tpu.dma_semaphore, #tpu.memory_space<semaphore_mem>>) attributes {dimension_semantics = [#tpu.dimension_semantics<core_parallel>, #tpu.dimension_semantics<subcore_parallel>], iteration_bounds = array<i64: 2, 16>, scalar_prefetch = 0 : i64, scratch_operands = 22 : i64, tpu.core_type = #tpu.core_type<sc_vector_subcore>, window_params = [{transform_indices = #map}, {transform_indices = #map1}, {transform_indices = #map1}, {transform_indices = #map}, {transform_indices = #map}, {transform_indices = #map}]} {
    %mul3A = arith.constant 2 : i32
    %mul3A_0 = arith.muli %arg1, %mul3A : i32
    %add3A = arith.addi %mul3A_0, %arg0 : i32
    %mul3A_1 = arith.constant 3125 : i32
    %mul3A_2 = arith.muli %add3A, %mul3A_1 : i32
    %add3A_3 = arith.constant 4 : i32
    %add3A_4 = arith.addi %mul3A_2, %add3A_3 : i32
    %shift_right_arithmetic3A = arith.constant 3 : i32
    %shift_right_arithmetic3A_5 = arith.shrsi %add3A_4, %shift_right_arithmetic3A : i32
    %shift_left3A = arith.constant 3 : i32
    %shift_left3A_6 = arith.shli %shift_right_arithmetic3A_5, %shift_left3A : i32
    %multiple_of3A = tpu.assume_multiple %shift_left3A_6, 8 : i32
    %add3A_7 = arith.constant 1 : i32
    %add3A_8 = arith.addi %add3A, %add3A_7 : i32
    %mul3A_9 = arith.constant 3125 : i32
    %mul3A_10 = arith.muli %add3A_8, %mul3A_9 : i32
    %add3A_11 = arith.constant 4 : i32
    %add3A_12 = arith.addi %mul3A_10, %add3A_11 : i32
    %shift_right_arithmetic3A_13 = arith.constant 3 : i32
    %shift_right_arithmetic3A_14 = arith.shrsi %add3A_12, %shift_right_arithmetic3A_13 : i32
    %shift_left3A_15 = arith.constant 3 : i32
    %shift_left3A_16 = arith.shli %shift_right_arithmetic3A_14, %shift_left3A_15 : i32
    %multiple_of3A_17 = tpu.assume_multiple %shift_left3A_16, 8 : i32
    %sub3A = arith.subi %multiple_of3A_17, %multiple_of3A : i32
    %dma_start3A = tpu.memref_slice %arg3[%multiple_of3A] : memref<100000xi32, #tpu.memory_space<hbm>> -> memref<3128xi32, #tpu.memory_space<hbm>>
    %dma_start3A_18 = tpu.memref_slice %arg3[%multiple_of3A] : memref<100000xi32, #tpu.memory_space<hbm>> -> memref<3128xi32, #tpu.memory_space<hbm>>
    tpu.enqueue_dma source(%dma_start3A_18 : memref<3128xi32, #tpu.memory_space<hbm>>) target(%arg8 : memref<3128xi32, #tpu.memory_space<vmem>>) target_semaphore(%arg22 : memref<!tpu.dma_semaphore, #tpu.memory_space<semaphore_mem>>)
    %dma_start3A_19 = tpu.memref_slice %arg4[%multiple_of3A] : memref<100000xi32, #tpu.memory_space<hbm>> -> memref<3128xi32, #tpu.memory_space<hbm>>
    %dma_start3A_20 = tpu.memref_slice %arg4[%multiple_of3A] : memref<100000xi32, #tpu.memory_space<hbm>> -> memref<3128xi32, #tpu.memory_space<hbm>>
    tpu.enqueue_dma source(%dma_start3A_20 : memref<3128xi32, #tpu.memory_space<hbm>>) target(%arg9 : memref<3128xi32, #tpu.memory_space<vmem>>) target_semaphore(%arg23 : memref<!tpu.dma_semaphore, #tpu.memory_space<semaphore_mem>>)
    %dma_wait3A = tpu.memref_slice %arg3[%multiple_of3A] : memref<100000xi32, #tpu.memory_space<hbm>> -> memref<3128xi32, #tpu.memory_space<hbm>>
    %dma_wait3A_21 = tpu.memref_slice %arg3[%multiple_of3A] : memref<100000xi32, #tpu.memory_space<hbm>> -> memref<3128xi32, #tpu.memory_space<hbm>>
    tpu.wait_dma2 semaphore(%arg22 : memref<!tpu.dma_semaphore, #tpu.memory_space<semaphore_mem>>) src(%dma_wait3A_21 : memref<3128xi32, #tpu.memory_space<hbm>>) dst(%arg8 : memref<3128xi32, #tpu.memory_space<vmem>>)
    %dma_wait3A_22 = tpu.memref_slice %arg4[%multiple_of3A] : memref<100000xi32, #tpu.memory_space<hbm>> -> memref<3128xi32, #tpu.memory_space<hbm>>
    %dma_wait3A_23 = tpu.memref_slice %arg4[%multiple_of3A] : memref<100000xi32, #tpu.memory_space<hbm>> -> memref<3128xi32, #tpu.memory_space<hbm>>
    tpu.wait_dma2 semaphore(%arg23 : memref<!tpu.dma_semaphore, #tpu.memory_space<semaphore_mem>>) src(%dma_wait3A_23 : memref<3128xi32, #tpu.memory_space<hbm>>) dst(%arg9 : memref<3128xi32, #tpu.memory_space<vmem>>)
    %dma_start3A_24 = arith.constant 0 : i32
    %dma_start3A_25 = tpu.memref_slice %arg8[%dma_start3A_24] : memref<3128xi32, #tpu.memory_space<vmem>> -> memref<80xi32, #tpu.memory_space<vmem>>
    %dma_start3A_26 = arith.constant 0 : i32
    %dma_start3A_27 = arith.constant 0 : i32
    %dma_start3A_28 = tpu.memref_slice %arg5[%dma_start3A_26, %dma_start3A_27] : memref<513x128xf32, #tpu.memory_space<hbm>> -> memref<513x128xf32, #tpu.memory_space<hbm>>
    tpu.enqueue_indirect_dma source(%dma_start3A_28 : memref<513x128xf32, #tpu.memory_space<hbm>>) target(%arg10 : memref<80x128xf32, #tpu.memory_space<vmem>>) offsets(%dma_start3A_25 : memref<80xi32, #tpu.memory_space<vmem>>) semaphore(%arg22 : memref<!tpu.dma_semaphore, #tpu.memory_space<semaphore_mem>>)
    %dma_start3A_29 = arith.constant 0 : i32
    %dma_start3A_30 = tpu.memref_slice %arg9[%dma_start3A_29] : memref<3128xi32, #tpu.memory_space<vmem>> -> memref<80xi32, #tpu.memory_space<vmem>>
    %dma_start3A_31 = arith.constant 0 : i32
    %dma_start3A_32 = arith.constant 0 : i32
    %dma_start3A_33 = tpu.memref_slice %arg6[%dma_start3A_31, %dma_start3A_32] : memref<513x128xf32, #tpu.memory_space<hbm>> -> memref<513x128xf32, #tpu.memory_space<hbm>>
    tpu.enqueue_indirect_dma source(%dma_start3A_33 : memref<513x128xf32, #tpu.memory_space<hbm>>) target(%arg14 : memref<80x128xf32, #tpu.memory_space<vmem>>) offsets(%dma_start3A_30 : memref<80xi32, #tpu.memory_space<vmem>>) semaphore(%arg22 : memref<!tpu.dma_semaphore, #tpu.memory_space<semaphore_mem>>)
    %add3A_34 = arith.constant 0 : i32
    %add3A_35 = arith.addi %multiple_of3A, %add3A_34 : i32
    %dma_start3A_36 = arith.constant 0 : i32
    %dma_start3A_37 = tpu.memref_slice %arg2[%add3A_35, %dma_start3A_36] : memref<100000x128xf32, #tpu.memory_space<hbm>> -> memref<80x128xf32, #tpu.memory_space<hbm>>
    %dma_start3A_38 = arith.constant 0 : i32
    %dma_start3A_39 = tpu.memref_slice %arg2[%add3A_35, %dma_start3A_38] : memref<100000x128xf32, #tpu.memory_space<hbm>> -> memref<80x128xf32, #tpu.memory_space<hbm>>
    tpu.enqueue_dma source(%dma_start3A_39 : memref<80x128xf32, #tpu.memory_space<hbm>>) target(%arg18 : memref<80x128xf32, #tpu.memory_space<vmem>>) target_semaphore(%arg22 : memref<!tpu.dma_semaphore, #tpu.memory_space<semaphore_mem>>)
    %dma_start3A_40 = arith.constant 80 : i32
    %dma_start3A_41 = tpu.memref_slice %arg8[%dma_start3A_40] : memref<3128xi32, #tpu.memory_space<vmem>> -> memref<80xi32, #tpu.memory_space<vmem>>
    %dma_start3A_42 = arith.constant 0 : i32
    %dma_start3A_43 = arith.constant 0 : i32
    %dma_start3A_44 = tpu.memref_slice %arg5[%dma_start3A_42, %dma_start3A_43] : memref<513x128xf32, #tpu.memory_space<hbm>> -> memref<513x128xf32, #tpu.memory_space<hbm>>
    tpu.enqueue_indirect_dma source(%dma_start3A_44 : memref<513x128xf32, #tpu.memory_space<hbm>>) target(%arg11 : memref<80x128xf32, #tpu.memory_space<vmem>>) offsets(%dma_start3A_41 : memref<80xi32, #tpu.memory_space<vmem>>) semaphore(%arg23 : memref<!tpu.dma_semaphore, #tpu.memory_space<semaphore_mem>>)
    %dma_start3A_45 = arith.constant 80 : i32
    %dma_start3A_46 = tpu.memref_slice %arg9[%dma_start3A_45] : memref<3128xi32, #tpu.memory_space<vmem>> -> memref<80xi32, #tpu.memory_space<vmem>>
    %dma_start3A_47 = arith.constant 0 : i32
    %dma_start3A_48 = arith.constant 0 : i32
    %dma_start3A_49 = tpu.memref_slice %arg6[%dma_start3A_47, %dma_start3A_48] : memref<513x128xf32, #tpu.memory_space<hbm>> -> memref<513x128xf32, #tpu.memory_space<hbm>>
    tpu.enqueue_indirect_dma source(%dma_start3A_49 : memref<513x128xf32, #tpu.memory_space<hbm>>) target(%arg15 : memref<80x128xf32, #tpu.memory_space<vmem>>) offsets(%dma_start3A_46 : memref<80xi32, #tpu.memory_space<vmem>>) semaphore(%arg23 : memref<!tpu.dma_semaphore, #tpu.memory_space<semaphore_mem>>)
    %add3A_50 = arith.constant 80 : i32
    %add3A_51 = arith.addi %multiple_of3A, %add3A_50 : i32
    %dma_start3A_52 = arith.constant 0 : i32
    %dma_start3A_53 = tpu.memref_slice %arg2[%add3A_51, %dma_start3A_52] : memref<100000x128xf32, #tpu.memory_space<hbm>> -> memref<80x128xf32, #tpu.memory_space<hbm>>
    %dma_start3A_54 = arith.constant 0 : i32
    %dma_start3A_55 = tpu.memref_slice %arg2[%add3A_51, %dma_start3A_54] : memref<100000x128xf32, #tpu.memory_space<hbm>> -> memref<80x128xf32, #tpu.memory_space<hbm>>
    tpu.enqueue_dma source(%dma_start3A_55 : memref<80x128xf32, #tpu.memory_space<hbm>>) target(%arg19 : memref<80x128xf32, #tpu.memory_space<vmem>>) target_semaphore(%arg23 : memref<!tpu.dma_semaphore, #tpu.memory_space<semaphore_mem>>)
    %scan3A = arith.constant 0 : i32
    %scan3A_56 = arith.constant 0 : i32
    %scan3A_57 = arith.constant 10 : i32
    %scan3A_58 = arith.addi %scan3A_56, %scan3A_57 : i32
    %scan3A_59 = arith.constant 1 : i32
    scf.for %scan3A_79 = %scan3A_56 to %scan3A_58 step %scan3A_59  : i32 {
      %mul3A_80 = arith.constant 4 : i32
      %mul3A_81 = arith.muli %scan3A_79, %mul3A_80 : i32
      %add3A_82 = arith.constant 0 : i32
      %add3A_83 = arith.addi %mul3A_81, %add3A_82 : i32
      %add3A_84 = arith.constant 2 : i32
      %add3A_85 = arith.addi %add3A_83, %add3A_84 : i32
      %lt3A = arith.constant 39 : i32
      %lt3A_86 = arith.cmpi slt, %add3A_85, %lt3A : i32
      %convert_element_type3A_87 = arith.extui %lt3A_86 : i1 to i32
      %cond3A_88 = arith.constant 0 : i32
      %cond3A_89 = arith.cmpi ne, %convert_element_type3A_87, %cond3A_88 : i32
      scf.if %cond3A_89 {
        %ge3A = arith.constant 2 : i32
        %ge3A_143 = arith.cmpi sge, %add3A_83, %ge3A : i32
        %convert_element_type3A_144 = arith.extui %ge3A_143 : i1 to i32
        %cond3A_145 = arith.constant 0 : i32
        %cond3A_146 = arith.cmpi ne, %convert_element_type3A_144, %cond3A_145 : i32
        scf.if %cond3A_146 {
          %dma_wait3A_168 = arith.constant 0 : i32
          %dma_wait3A_169 = tpu.memref_slice %arg7[%multiple_of3A, %dma_wait3A_168] : memref<100000x128xf32, #tpu.memory_space<hbm>> -> memref<80x128xf32, #tpu.memory_space<hbm>>
          %dma_wait3A_170 = arith.constant 0 : i32
          %dma_wait3A_171 = tpu.memref_slice %arg7[%multiple_of3A, %dma_wait3A_170] : memref<100000x128xf32, #tpu.memory_space<hbm>> -> memref<80x128xf32, #tpu.memory_space<hbm>>
          tpu.wait_dma2 semaphore(%arg28 : memref<!tpu.dma_semaphore, #tpu.memory_space<semaphore_mem>>) src(%arg20 : memref<80x128xf32, #tpu.memory_space<vmem>>) dst(%dma_wait3A_171 : memref<80x128xf32, #tpu.memory_space<hbm>>)
        } else {
        }
        %add3A_147 = arith.constant 2 : i32
        %add3A_148 = arith.addi %add3A_83, %add3A_147 : i32
        %mul3A_149 = arith.constant 80 : i32
        %mul3A_150 = arith.muli %add3A_148, %mul3A_149 : i32
        %dma_start3A_151 = tpu.memref_slice %arg8[%mul3A_150] : memref<3128xi32, #tpu.memory_space<vmem>> -> memref<80xi32, #tpu.memory_space<vmem>>
        %dma_start3A_152 = arith.constant 0 : i32
        %dma_start3A_153 = arith.constant 0 : i32
        %dma_start3A_154 = tpu.memref_slice %arg5[%dma_start3A_152, %dma_start3A_153] : memref<513x128xf32, #tpu.memory_space<hbm>> -> memref<513x128xf32, #tpu.memory_space<hbm>>
        tpu.enqueue_indirect_dma source(%dma_start3A_154 : memref<513x128xf32, #tpu.memory_space<hbm>>) target(%arg12 : memref<80x128xf32, #tpu.memory_space<vmem>>) offsets(%dma_start3A_151 : memref<80xi32, #tpu.memory_space<vmem>>) semaphore(%arg24 : memref<!tpu.dma_semaphore, #tpu.memory_space<semaphore_mem>>)
        %mul3A_155 = arith.constant 80 : i32
        %mul3A_156 = arith.muli %add3A_148, %mul3A_155 : i32
        %dma_start3A_157 = tpu.memref_slice %arg9[%mul3A_156] : memref<3128xi32, #tpu.memory_space<vmem>> -> memref<80xi32, #tpu.memory_space<vmem>>
        %dma_start3A_158 = arith.constant 0 : i32
        %dma_start3A_159 = arith.constant 0 : i32
        %dma_start3A_160 = tpu.memref_slice %arg6[%dma_start3A_158, %dma_start3A_159] : memref<513x128xf32, #tpu.memory_space<hbm>> -> memref<513x128xf32, #tpu.memory_space<hbm>>
        tpu.enqueue_indirect_dma source(%dma_start3A_160 : memref<513x128xf32, #tpu.memory_space<hbm>>) target(%arg16 : memref<80x128xf32, #tpu.memory_space<vmem>>) offsets(%dma_start3A_157 : memref<80xi32, #tpu.memory_space<vmem>>) semaphore(%arg24 : memref<!tpu.dma_semaphore, #tpu.memory_space<semaphore_mem>>)
        %mul3A_161 = arith.constant 80 : i32
        %mul3A_162 = arith.muli %add3A_148, %mul3A_161 : i32
        %add3A_163 = arith.addi %multiple_of3A, %mul3A_162 : i32
        %dma_start3A_164 = arith.constant 0 : i32
        %dma_start3A_165 = tpu.memref_slice %arg2[%add3A_163, %dma_start3A_164] : memref<100000x128xf32, #tpu.memory_space<hbm>> -> memref<80x128xf32, #tpu.memory_space<hbm>>
        %dma_start3A_166 = arith.constant 0 : i32
        %dma_start3A_167 = tpu.memref_slice %arg2[%add3A_163, %dma_start3A_166] : memref<100000x128xf32, #tpu.memory_space<hbm>> -> memref<80x128xf32, #tpu.memory_space<hbm>>
        tpu.enqueue_dma source(%dma_start3A_167 : memref<80x128xf32, #tpu.memory_space<hbm>>) target(%arg20 : memref<80x128xf32, #tpu.memory_space<vmem>>) target_semaphore(%arg24 : memref<!tpu.dma_semaphore, #tpu.memory_space<semaphore_mem>>)
      } else {
      }
      %lt3A_90 = arith.constant 39 : i32
      %lt3A_91 = arith.cmpi slt, %add3A_83, %lt3A_90 : i32
      %convert_element_type3A_92 = arith.extui %lt3A_91 : i1 to i32
      %cond3A_93 = arith.constant 0 : i32
      %cond3A_94 = arith.cmpi ne, %convert_element_type3A_92, %cond3A_93 : i32
      scf.if %cond3A_94 {
        %dma_wait3A_143 = arith.constant 0 : i32
        %dma_wait3A_144 = tpu.memref_slice %arg8[%dma_wait3A_143] : memref<3128xi32, #tpu.memory_space<vmem>> -> memref<80xi32, #tpu.memory_space<vmem>>
        %dma_wait3A_145 = arith.constant 0 : i32
        %dma_wait3A_146 = arith.constant 0 : i32
        %dma_wait3A_147 = tpu.memref_slice %arg5[%dma_wait3A_145, %dma_wait3A_146] : memref<513x128xf32, #tpu.memory_space<hbm>> -> memref<513x128xf32, #tpu.memory_space<hbm>>
        tpu.wait_indirect_dma semaphore(%arg22 : memref<!tpu.dma_semaphore, #tpu.memory_space<semaphore_mem>>) src(%dma_wait3A_147 : memref<513x128xf32, #tpu.memory_space<hbm>>) dst(%arg10 : memref<80x128xf32, #tpu.memory_space<vmem>>)
        %dma_wait3A_148 = arith.constant 0 : i32
        %dma_wait3A_149 = tpu.memref_slice %arg9[%dma_wait3A_148] : memref<3128xi32, #tpu.memory_space<vmem>> -> memref<80xi32, #tpu.memory_space<vmem>>
        %dma_wait3A_150 = arith.constant 0 : i32
        %dma_wait3A_151 = arith.constant 0 : i32
        %dma_wait3A_152 = tpu.memref_slice %arg6[%dma_wait3A_150, %dma_wait3A_151] : memref<513x128xf32, #tpu.memory_space<hbm>> -> memref<513x128xf32, #tpu.memory_space<hbm>>
        tpu.wait_indirect_dma semaphore(%arg22 : memref<!tpu.dma_semaphore, #tpu.memory_space<semaphore_mem>>) src(%dma_wait3A_152 : memref<513x128xf32, #tpu.memory_space<hbm>>) dst(%arg14 : memref<80x128xf32, #tpu.memory_space<vmem>>)
        %dma_wait3A_153 = arith.constant 0 : i32
        %dma_wait3A_154 = tpu.memref_slice %arg2[%multiple_of3A, %dma_wait3A_153] : memref<100000x128xf32, #tpu.memory_space<hbm>> -> memref<80x128xf32, #tpu.memory_space<hbm>>
        %dma_wait3A_155 = arith.constant 0 : i32
        %dma_wait3A_156 = tpu.memref_slice %arg2[%multiple_of3A, %dma_wait3A_155] : memref<100000x128xf32, #tpu.memory_space<hbm>> -> memref<80x128xf32, #tpu.memory_space<hbm>>
        tpu.wait_dma2 semaphore(%arg22 : memref<!tpu.dma_semaphore, #tpu.memory_space<semaphore_mem>>) src(%dma_wait3A_156 : memref<80x128xf32, #tpu.memory_space<hbm>>) dst(%arg18 : memref<80x128xf32, #tpu.memory_space<vmem>>)
        %scan3A_157 = arith.constant 0 : i32
        %scan3A_158 = arith.constant 0 : i32
        %scan3A_159 = arith.constant 80 : i32
        %scan3A_160 = arith.addi %scan3A_158, %scan3A_159 : i32
        %scan3A_161 = arith.constant 1 : i32
        scf.for %scan3A_170 = %scan3A_158 to %scan3A_160 step %scan3A_161  : i32 {
          %get3A = arith.index_cast %scan3A_170 : i32 to index
          %get3A_171 = arith.constant 0 : index
          %get3A_172 = tpu.vector_load %arg18[%get3A, %get3A_171] {strides = array<i32>} : memref<80x128xf32, #tpu.memory_space<vmem>>, vector<1x16xf32>,
          %get3A_173 = vector.shape_cast %get3A_172 : vector<1x16xf32> to vector<16xf32>
          %get3A_174 = arith.index_cast %scan3A_170 : i32 to index
          %get3A_175 = arith.constant 0 : index
          %get3A_176 = tpu.vector_load %arg10[%get3A_174, %get3A_175] {strides = array<i32>} : memref<80x128xf32, #tpu.memory_space<vmem>>, vector<1x16xf32>,
          %get3A_177 = vector.shape_cast %get3A_176 : vector<1x16xf32> to vector<16xf32>
          %add3A_178 = arith.addf %get3A_173, %get3A_177 : vector<16xf32>
          %get3A_179 = arith.index_cast %scan3A_170 : i32 to index
          %get3A_180 = arith.constant 0 : index
          %get3A_181 = tpu.vector_load %arg14[%get3A_179, %get3A_180] {strides = array<i32>} : memref<80x128xf32, #tpu.memory_space<vmem>>, vector<1x16xf32>,
          %get3A_182 = vector.shape_cast %get3A_181 : vector<1x16xf32> to vector<16xf32>
          %add3A_183 = arith.addf %add3A_178, %get3A_182 : vector<16xf32>
          %swap3A = arith.index_cast %scan3A_170 : i32 to index
          %swap3A_184 = arith.constant 0 : index
          %swap3A_185 = tpu.vector_load %arg18[%swap3A, %swap3A_184] {strides = array<i32>} : memref<80x128xf32, #tpu.memory_space<vmem>>, vector<1x16xf32>,
          %swap3A_186 = vector.shape_cast %swap3A_185 : vector<1x16xf32> to vector<16xf32>
          %swap3A_187 = vector.shape_cast %add3A_183 : vector<16xf32> to vector<1x16xf32>
          tpu.vector_store %arg18[%swap3A, %swap3A_184], %swap3A_187 {strides = array<i32>} : memref<80x128xf32, #tpu.memory_space<vmem>>, vector<1x16xf32>,
          %get3A_188 = arith.index_cast %scan3A_170 : i32 to index
          %get3A_189 = arith.constant 16 : index
          %get3A_190 = tpu.vector_load %arg18[%get3A_188, %get3A_189] {strides = array<i32>} : memref<80x128xf32, #tpu.memory_space<vmem>>, vector<1x16xf32>,
          %get3A_191 = vector.shape_cast %get3A_190 : vector<1x16xf32> to vector<16xf32>
          %get3A_192 = arith.index_cast %scan3A_170 : i32 to index
          %get3A_193 = arith.constant 16 : index
          %get3A_194 = tpu.vector_load %arg10[%get3A_192, %get3A_193] {strides = array<i32>} : memref<80x128xf32, #tpu.memory_space<vmem>>, vector<1x16xf32>,
          %get3A_195 = vector.shape_cast %get3A_194 : vector<1x16xf32> to vector<16xf32>
          %add3A_196 = arith.addf %get3A_191, %get3A_195 : vector<16xf32>
          %get3A_197 = arith.index_cast %scan3A_170 : i32 to index
          %get3A_198 = arith.constant 16 : index
          %get3A_199 = tpu.vector_load %arg14[%get3A_197, %get3A_198] {strides = array<i32>} : memref<80x128xf32, #tpu.memory_space<vmem>>, vector<1x16xf32>,
          %get3A_200 = vector.shape_cast %get3A_199 : vector<1x16xf32> to vector<16xf32>
          %add3A_201 = arith.addf %add3A_196, %get3A_200 : vector<16xf32>
          %swap3A_202 = arith.index_cast %scan3A_170 : i32 to index
          %swap3A_203 = arith.constant 16 : index
          %swap3A_204 = tpu.vector_load %arg18[%swap3A_202, %swap3A_203] {strides = array<i32>} : memref<80x128xf32, #tpu.memory_space<vmem>>, vector<1x16xf32>,
          %swap3A_205 = vector.shape_cast %swap3A_204 : vector<1x16xf32> to vector<16xf32>
          %swap3A_206 = vector.shape_cast %add3A_201 : vector<16xf32> to vector<1x16xf32>
          tpu.vector_store %arg18[%swap3A_202, %swap3A_203], %swap3A_206 {strides = array<i32>} : memref<80x128xf32, #tpu.memory_space<vmem>>, vector<1x16xf32>,
          %get3A_207 = arith.index_cast %scan3A_170 : i32 to index
          %get3A_208 = arith.constant 32 : index
          %get3A_209 = tpu.vector_load %arg18[%get3A_207, %get3A_208] {strides = array<i32>} : memref<80x128xf32, #tpu.memory_space<vmem>>, vector<1x16xf32>,
          %get3A_210 = vector.shape_cast %get3A_209 : vector<1x16xf32> to vector<16xf32>
          %get3A_211 = arith.index_cast %scan3A_170 : i32 to index
          %get3A_212 = arith.constant 32 : index
          %get3A_213 = tpu.vector_load %arg10[%get3A_211, %get3A_212] {strides = array<i32>} : memref<80x128xf32, #tpu.memory_space<vmem>>, vector<1x16xf32>,
          %get3A_214 = vector.shape_cast %get3A_213 : vector<1x16xf32> to vector<16xf32>
          %add3A_215 = arith.addf %get3A_210, %get3A_214 : vector<16xf32>
          %get3A_216 = arith.index_cast %scan3A_170 : i32 to index
          %get3A_217 = arith.constant 32 : index
          %get3A_218 = tpu.vector_load %arg14[%get3A_216, %get3A_217] {strides = array<i32>} : memref<80x128xf32, #tpu.memory_space<vmem>>, vector<1x16xf32>,
          %get3A_219 = vector.shape_cast %get3A_218 : vector<1x16xf32> to vector<16xf32>
          %add3A_220 = arith.addf %add3A_215, %get3A_219 : vector<16xf32>
          %swap3A_221 = arith.index_cast %scan3A_170 : i32 to index
          %swap3A_222 = arith.constant 32 : index
          %swap3A_223 = tpu.vector_load %arg18[%swap3A_221, %swap3A_222] {strides = array<i32>} : memref<80x128xf32, #tpu.memory_space<vmem>>, vector<1x16xf32>,
          %swap3A_224 = vector.shape_cast %swap3A_223 : vector<1x16xf32> to vector<16xf32>
          %swap3A_225 = vector.shape_cast %add3A_220 : vector<16xf32> to vector<1x16xf32>
          tpu.vector_store %arg18[%swap3A_221, %swap3A_222], %swap3A_225 {strides = array<i32>} : memref<80x128xf32, #tpu.memory_space<vmem>>, vector<1x16xf32>,
          %get3A_226 = arith.index_cast %scan3A_170 : i32 to index
          %get3A_227 = arith.constant 48 : index
          %get3A_228 = tpu.vector_load %arg18[%get3A_226, %get3A_227] {strides = array<i32>} : memref<80x128xf32, #tpu.memory_space<vmem>>, vector<1x16xf32>,
          %get3A_229 = vector.shape_cast %get3A_228 : vector<1x16xf32> to vector<16xf32>
          %get3A_230 = arith.index_cast %scan3A_170 : i32 to index
          %get3A_231 = arith.constant 48 : index
          %get3A_232 = tpu.vector_load %arg10[%get3A_230, %get3A_231] {strides = array<i32>} : memref<80x128xf32, #tpu.memory_space<vmem>>, vector<1x16xf32>,
          %get3A_233 = vector.shape_cast %get3A_232 : vector<1x16xf32> to vector<16xf32>
          %add3A_234 = arith.addf %get3A_229, %get3A_233 : vector<16xf32>
          %get3A_235 = arith.index_cast %scan3A_170 : i32 to index
          %get3A_236 = arith.constant 48 : index
          %get3A_237 = tpu.vector_load %arg14[%get3A_235, %get3A_236] {strides = array<i32>} : memref<80x128xf32, #tpu.memory_space<vmem>>, vector<1x16xf32>,
          %get3A_238 = vector.shape_cast %get3A_237 : vector<1x16xf32> to vector<16xf32>
          %add3A_239 = arith.addf %add3A_234, %get3A_238 : vector<16xf32>
          %swap3A_240 = arith.index_cast %scan3A_170 : i32 to index
          %swap3A_241 = arith.constant 48 : index
          %swap3A_242 = tpu.vector_load %arg18[%swap3A_240, %swap3A_241] {strides = array<i32>} : memref<80x128xf32, #tpu.memory_space<vmem>>, vector<1x16xf32>,
          %swap3A_243 = vector.shape_cast %swap3A_242 : vector<1x16xf32> to vector<16xf32>
          %swap3A_244 = vector.shape_cast %add3A_239 : vector<16xf32> to vector<1x16xf32>
          tpu.vector_store %arg18[%swap3A_240, %swap3A_241], %swap3A_244 {strides = array<i32>} : memref<80x128xf32, #tpu.memory_space<vmem>>, vector<1x16xf32>,
          %get3A_245 = arith.index_cast %scan3A_170 : i32 to index
          %get3A_246 = arith.constant 64 : index
          %get3A_247 = tpu.vector_load %arg18[%get3A_245, %get3A_246] {strides = array<i32>} : memref<80x128xf32, #tpu.memory_space<vmem>>, vector<1x16xf32>,
          %get3A_248 = vector.shape_cast %get3A_247 : vector<1x16xf32> to vector<16xf32>
          %get3A_249 = arith.index_cast %scan3A_170 : i32 to index
          %get3A_250 = arith.constant 64 : index
          %get3A_251 = tpu.vector_load %arg10[%get3A_249, %get3A_250] {strides = array<i32>} : memref<80x128xf32, #tpu.memory_space<vmem>>, vector<1x16xf32>,
          %get3A_252 = vector.shape_cast %get3A_251 : vector<1x16xf32> to vector<16xf32>
          %add3A_253 = arith.addf %get3A_248, %get3A_252 : vector<16xf32>
          %get3A_254 = arith.index_cast %scan3A_170 : i32 to index
          %get3A_255 = arith.constant 64 : index
          %get3A_256 = tpu.vector_load %arg14[%get3A_254, %get3A_255] {strides = array<i32>} : memref<80x128xf32, #tpu.memory_space<vmem>>, vector<1x16xf32>,
          %get3A_257 = vector.shape_cast %get3A_256 : vector<1x16xf32> to vector<16xf32>
          %add3A_258 = arith.addf %add3A_253, %get3A_257 : vector<16xf32>
          %swap3A_259 = arith.index_cast %scan3A_170 : i32 to index
          %swap3A_260 = arith.constant 64 : index
          %swap3A_261 = tpu.vector_load %arg18[%swap3A_259, %swap3A_260] {strides = array<i32>} : memref<80x128xf32, #tpu.memory_space<vmem>>, vector<1x16xf32>,
          %swap3A_262 = vector.shape_cast %swap3A_261 : vector<1x16xf32> to vector<16xf32>
          %swap3A_263 = vector.shape_cast %add3A_258 : vector<16xf32> to vector<1x16xf32>
          tpu.vector_store %arg18[%swap3A_259, %swap3A_260], %swap3A_263 {strides = array<i32>} : memref<80x128xf32, #tpu.memory_space<vmem>>, vector<1x16xf32>,
          %get3A_264 = arith.index_cast %scan3A_170 : i32 to index
          %get3A_265 = arith.constant 80 : index
          %get3A_266 = tpu.vector_load %arg18[%get3A_264, %get3A_265] {strides = array<i32>} : memref<80x128xf32, #tpu.memory_space<vmem>>, vector<1x16xf32>,
          %get3A_267 = vector.shape_cast %get3A_266 : vector<1x16xf32> to vector<16xf32>
          %get3A_268 = arith.index_cast %scan3A_170 : i32 to index
          %get3A_269 = arith.constant 80 : index
          %get3A_270 = tpu.vector_load %arg10[%get3A_268, %get3A_269] {strides = array<i32>} : memref<80x128xf32, #tpu.memory_space<vmem>>, vector<1x16xf32>,
          %get3A_271 = vector.shape_cast %get3A_270 : vector<1x16xf32> to vector<16xf32>
          %add3A_272 = arith.addf %get3A_267, %get3A_271 : vector<16xf32>
          %get3A_273 = arith.index_cast %scan3A_170 : i32 to index
          %get3A_274 = arith.constant 80 : index
          %get3A_275 = tpu.vector_load %arg14[%get3A_273, %get3A_274] {strides = array<i32>} : memref<80x128xf32, #tpu.memory_space<vmem>>, vector<1x16xf32>,
          %get3A_276 = vector.shape_cast %get3A_275 : vector<1x16xf32> to vector<16xf32>
          %add3A_277 = arith.addf %add3A_272, %get3A_276 : vector<16xf32>
          %swap3A_278 = arith.index_cast %scan3A_170 : i32 to index
          %swap3A_279 = arith.constant 80 : index
          %swap3A_280 = tpu.vector_load %arg18[%swap3A_278, %swap3A_279] {strides = array<i32>} : memref<80x128xf32, #tpu.memory_space<vmem>>, vector<1x16xf32>,
          %swap3A_281 = vector.shape_cast %swap3A_280 : vector<1x16xf32> to vector<16xf32>
          %swap3A_282 = vector.shape_cast %add3A_277 : vector<16xf32> to vector<1x16xf32>
          tpu.vector_store %arg18[%swap3A_278, %swap3A_279], %swap3A_282 {strides = array<i32>} : memref<80x128xf32, #tpu.memory_space<vmem>>, vector<1x16xf32>,
          %get3A_283 = arith.index_cast %scan3A_170 : i32 to index
          %get3A_284 = arith.constant 96 : index
          %get3A_285 = tpu.vector_load %arg18[%get3A_283, %get3A_284] {strides = array<i32>} : memref<80x128xf32, #tpu.memory_space<vmem>>, vector<1x16xf32>,
          %get3A_286 = vector.shape_cast %get3A_285 : vector<1x16xf32> to vector<16xf32>
          %get3A_287 = arith.index_cast %scan3A_170 : i32 to index
          %get3A_288 = arith.constant 96 : index
          %get3A_289 = tpu.vector_load %arg10[%get3A_287, %get3A_288] {strides = array<i32>} : memref<80x128xf32, #tpu.memory_space<vmem>>, vector<1x16xf32>,
          %get3A_290 = vector.shape_cast %get3A_289 : vector<1x16xf32> to vector<16xf32>
          %add3A_291 = arith.addf %get3A_286, %get3A_290 : vector<16xf32>
          %get3A_292 = arith.index_cast %scan3A_170 : i32 to index
          %get3A_293 = arith.constant 96 : index
          %get3A_294 = tpu.vector_load %arg14[%get3A_292, %get3A_293] {strides = array<i32>} : memref<80x128xf32, #tpu.memory_space<vmem>>, vector<1x16xf32>,
          %get3A_295 = vector.shape_cast %get3A_294 : vector<1x16xf32> to vector<16xf32>
          %add3A_296 = arith.addf %add3A_291, %get3A_295 : vector<16xf32>
          %swap3A_297 = arith.index_cast %scan3A_170 : i32 to index
          %swap3A_298 = arith.constant 96 : index
          %swap3A_299 = tpu.vector_load %arg18[%swap3A_297, %swap3A_298] {strides = array<i32>} : memref<80x128xf32, #tpu.memory_space<vmem>>, vector<1x16xf32>,
          %swap3A_300 = vector.shape_cast %swap3A_299 : vector<1x16xf32> to vector<16xf32>
          %swap3A_301 = vector.shape_cast %add3A_296 : vector<16xf32> to vector<1x16xf32>
          tpu.vector_store %arg18[%swap3A_297, %swap3A_298], %swap3A_301 {strides = array<i32>} : memref<80x128xf32, #tpu.memory_space<vmem>>, vector<1x16xf32>,
          %get3A_302 = arith.index_cast %scan3A_170 : i32 to index
          %get3A_303 = arith.constant 112 : index
          %get3A_304 = tpu.vector_load %arg18[%get3A_302, %get3A_303] {strides = array<i32>} : memref<80x128xf32, #tpu.memory_space<vmem>>, vector<1x16xf32>,
          %get3A_305 = vector.shape_cast %get3A_304 : vector<1x16xf32> to vector<16xf32>
          %get3A_306 = arith.index_cast %scan3A_170 : i32 to index
          %get3A_307 = arith.constant 112 : index
          %get3A_308 = tpu.vector_load %arg10[%get3A_306, %get3A_307] {strides = array<i32>} : memref<80x128xf32, #tpu.memory_space<vmem>>, vector<1x16xf32>,
          %get3A_309 = vector.shape_cast %get3A_308 : vector<1x16xf32> to vector<16xf32>
          %add3A_310 = arith.addf %get3A_305, %get3A_309 : vector<16xf32>
          %get3A_311 = arith.index_cast %scan3A_170 : i32 to index
          %get3A_312 = arith.constant 112 : index
          %get3A_313 = tpu.vector_load %arg14[%get3A_311, %get3A_312] {strides = array<i32>} : memref<80x128xf32, #tpu.memory_space<vmem>>, vector<1x16xf32>,
          %get3A_314 = vector.shape_cast %get3A_313 : vector<1x16xf32> to vector<16xf32>
          %add3A_315 = arith.addf %add3A_310, %get3A_314 : vector<16xf32>
          %swap3A_316 = arith.index_cast %scan3A_170 : i32 to index
          %swap3A_317 = arith.constant 112 : index
          %swap3A_318 = tpu.vector_load %arg18[%swap3A_316, %swap3A_317] {strides = array<i32>} : memref<80x128xf32, #tpu.memory_space<vmem>>, vector<1x16xf32>,
          %swap3A_319 = vector.shape_cast %swap3A_318 : vector<1x16xf32> to vector<16xf32>
          %swap3A_320 = vector.shape_cast %add3A_315 : vector<16xf32> to vector<1x16xf32>
          tpu.vector_store %arg18[%swap3A_316, %swap3A_317], %swap3A_320 {strides = array<i32>} : memref<80x128xf32, #tpu.memory_space<vmem>>, vector<1x16xf32>,
        }
        %scan3A_162 = arith.constant 80 : i32
        %mul3A_163 = arith.constant 80 : i32
        %mul3A_164 = arith.muli %add3A_83, %mul3A_163 : i32
        %add3A_165 = arith.addi %multiple_of3A, %mul3A_164 : i32
        %dma_start3A_166 = arith.constant 0 : i32
        %dma_start3A_167 = tpu.memref_slice %arg7[%add3A_165, %dma_start3A_166] : memref<100000x128xf32, #tpu.memory_space<hbm>> -> memref<80x128xf32, #tpu.memory_space<hbm>>
        %dma_start3A_168 = arith.constant 0 : i32
        %dma_start3A_169 = tpu.memref_slice %arg7[%add3A_165, %dma_start3A_168] : memref<100000x128xf32, #tpu.memory_space<hbm>> -> memref<80x128xf32, #tpu.memory_space<hbm>>
        tpu.enqueue_dma source(%arg18 : memref<80x128xf32, #tpu.memory_space<vmem>>) target(%dma_start3A_169 : memref<80x128xf32, #tpu.memory_space<hbm>>) target_semaphore(%arg26 : memref<!tpu.dma_semaphore, #tpu.memory_space<semaphore_mem>>)
      } else {
      }
      %mul3A_95 = arith.constant 4 : i32
      %mul3A_96 = arith.muli %scan3A_79, %mul3A_95 : i32
      %add3A_97 = arith.constant 1 : i32
      %add3A_98 = arith.addi %mul3A_96, %add3A_97 : i32
      %add3A_99 = arith.constant 2 : i32
      %add3A_100 = arith.addi %add3A_98, %add3A_99 : i32
      %lt3A_101 = arith.constant 39 : i32
      %lt3A_102 = arith.cmpi slt, %add3A_100, %lt3A_101 : i32
      %convert_element_type3A_103 = arith.extui %lt3A_102 : i1 to i32
      %cond3A_104 = arith.constant 0 : i32
      %cond3A_105 = arith.cmpi ne, %convert_element_type3A_103, %cond3A_104 : i32
      scf.if %cond3A_105 {
        %ge3A = arith.constant 2 : i32
        %ge3A_143 = arith.cmpi sge, %add3A_98, %ge3A : i32
        %convert_element_type3A_144 = arith.extui %ge3A_143 : i1 to i32
        %cond3A_145 = arith.constant 0 : i32
        %cond3A_146 = arith.cmpi ne, %convert_element_type3A_144, %cond3A_145 : i32
        scf.if %cond3A_146 {
          %dma_wait3A_168 = arith.constant 0 : i32
          %dma_wait3A_169 = tpu.memref_slice %arg7[%multiple_of3A, %dma_wait3A_168] : memref<100000x128xf32, #tpu.memory_space<hbm>> -> memref<80x128xf32, #tpu.memory_space<hbm>>
          %dma_wait3A_170 = arith.constant 0 : i32
          %dma_wait3A_171 = tpu.memref_slice %arg7[%multiple_of3A, %dma_wait3A_170] : memref<100000x128xf32, #tpu.memory_space<hbm>> -> memref<80x128xf32, #tpu.memory_space<hbm>>
          tpu.wait_dma2 semaphore(%arg29 : memref<!tpu.dma_semaphore, #tpu.memory_space<semaphore_mem>>) src(%arg21 : memref<80x128xf32, #tpu.memory_space<vmem>>) dst(%dma_wait3A_171 : memref<80x128xf32, #tpu.memory_space<hbm>>)
        } else {
        }
        %add3A_147 = arith.constant 2 : i32
        %add3A_148 = arith.addi %add3A_98, %add3A_147 : i32
        %mul3A_149 = arith.constant 80 : i32
        %mul3A_150 = arith.muli %add3A_148, %mul3A_149 : i32
        %dma_start3A_151 = tpu.memref_slice %arg8[%mul3A_150] : memref<3128xi32, #tpu.memory_space<vmem>> -> memref<80xi32, #tpu.memory_space<vmem>>
        %dma_start3A_152 = arith.constant 0 : i32
        %dma_start3A_153 = arith.constant 0 : i32
        %dma_start3A_154 = tpu.memref_slice %arg5[%dma_start3A_152, %dma_start3A_153] : memref<513x128xf32, #tpu.memory_space<hbm>> -> memref<513x128xf32, #tpu.memory_space<hbm>>
        tpu.enqueue_indirect_dma source(%dma_start3A_154 : memref<513x128xf32, #tpu.memory_space<hbm>>) target(%arg13 : memref<80x128xf32, #tpu.memory_space<vmem>>) offsets(%dma_start3A_151 : memref<80xi32, #tpu.memory_space<vmem>>) semaphore(%arg25 : memref<!tpu.dma_semaphore, #tpu.memory_space<semaphore_mem>>)
        %mul3A_155 = arith.constant 80 : i32
        %mul3A_156 = arith.muli %add3A_148, %mul3A_155 : i32
        %dma_start3A_157 = tpu.memref_slice %arg9[%mul3A_156] : memref<3128xi32, #tpu.memory_space<vmem>> -> memref<80xi32, #tpu.memory_space<vmem>>
        %dma_start3A_158 = arith.constant 0 : i32
        %dma_start3A_159 = arith.constant 0 : i32
        %dma_start3A_160 = tpu.memref_slice %arg6[%dma_start3A_158, %dma_start3A_159] : memref<513x128xf32, #tpu.memory_space<hbm>> -> memref<513x128xf32, #tpu.memory_space<hbm>>
        tpu.enqueue_indirect_dma source(%dma_start3A_160 : memref<513x128xf32, #tpu.memory_space<hbm>>) target(%arg17 : memref<80x128xf32, #tpu.memory_space<vmem>>) offsets(%dma_start3A_157 : memref<80xi32, #tpu.memory_space<vmem>>) semaphore(%arg25 : memref<!tpu.dma_semaphore, #tpu.memory_space<semaphore_mem>>)
        %mul3A_161 = arith.constant 80 : i32
        %mul3A_162 = arith.muli %add3A_148, %mul3A_161 : i32
        %add3A_163 = arith.addi %multiple_of3A, %mul3A_162 : i32
        %dma_start3A_164 = arith.constant 0 : i32
        %dma_start3A_165 = tpu.memref_slice %arg2[%add3A_163, %dma_start3A_164] : memref<100000x128xf32, #tpu.memory_space<hbm>> -> memref<80x128xf32, #tpu.memory_space<hbm>>
        %dma_start3A_166 = arith.constant 0 : i32
        %dma_start3A_167 = tpu.memref_slice %arg2[%add3A_163, %dma_start3A_166] : memref<100000x128xf32, #tpu.memory_space<hbm>> -> memref<80x128xf32, #tpu.memory_space<hbm>>
        tpu.enqueue_dma source(%dma_start3A_167 : memref<80x128xf32, #tpu.memory_space<hbm>>) target(%arg21 : memref<80x128xf32, #tpu.memory_space<vmem>>) target_semaphore(%arg25 : memref<!tpu.dma_semaphore, #tpu.memory_space<semaphore_mem>>)
      } else {
      }
      %lt3A_106 = arith.constant 39 : i32
      %lt3A_107 = arith.cmpi slt, %add3A_98, %lt3A_106 : i32
      %convert_element_type3A_108 = arith.extui %lt3A_107 : i1 to i32
      %cond3A_109 = arith.constant 0 : i32
      %cond3A_110 = arith.cmpi ne, %convert_element_type3A_108, %cond3A_109 : i32
      scf.if %cond3A_110 {
        %dma_wait3A_143 = arith.constant 0 : i32
        %dma_wait3A_144 = tpu.memref_slice %arg8[%dma_wait3A_143] : memref<3128xi32, #tpu.memory_space<vmem>> -> memref<80xi32, #tpu.memory_space<vmem>>
        %dma_wait3A_145 = arith.constant 0 : i32
        %dma_wait3A_146 = arith.constant 0 : i32
        %dma_wait3A_147 = tpu.memref_slice %arg5[%dma_wait3A_145, %dma_wait3A_146] : memref<513x128xf32, #tpu.memory_space<hbm>> -> memref<513x128xf32, #tpu.memory_space<hbm>>
        tpu.wait_indirect_dma semaphore(%arg23 : memref<!tpu.dma_semaphore, #tpu.memory_space<semaphore_mem>>) src(%dma_wait3A_147 : memref<513x128xf32, #tpu.memory_space<hbm>>) dst(%arg11 : memref<80x128xf32, #tpu.memory_space<vmem>>)
        %dma_wait3A_148 = arith.constant 0 : i32
        %dma_wait3A_149 = tpu.memref_slice %arg9[%dma_wait3A_148] : memref<3128xi32, #tpu.memory_space<vmem>> -> memref<80xi32, #tpu.memory_space<vmem>>
        %dma_wait3A_150 = arith.constant 0 : i32
        %dma_wait3A_151 = arith.constant 0 : i32
        %dma_wait3A_152 = tpu.memref_slice %arg6[%dma_wait3A_150, %dma_wait3A_151] : memref<513x128xf32, #tpu.memory_space<hbm>> -> memref<513x128xf32, #tpu.memory_space<hbm>>
        tpu.wait_indirect_dma semaphore(%arg23 : memref<!tpu.dma_semaphore, #tpu.memory_space<semaphore_mem>>) src(%dma_wait3A_152 : memref<513x128xf32, #tpu.memory_space<hbm>>) dst(%arg15 : memref<80x128xf32, #tpu.memory_space<vmem>>)
        %dma_wait3A_153 = arith.constant 0 : i32
        %dma_wait3A_154 = tpu.memref_slice %arg2[%multiple_of3A, %dma_wait3A_153] : memref<100000x128xf32, #tpu.memory_space<hbm>> -> memref<80x128xf32, #tpu.memory_space<hbm>>
        %dma_wait3A_155 = arith.constant 0 : i32
        %dma_wait3A_156 = tpu.memref_slice %arg2[%multiple_of3A, %dma_wait3A_155] : memref<100000x128xf32, #tpu.memory_space<hbm>> -> memref<80x128xf32, #tpu.memory_space<hbm>>
        tpu.wait_dma2 semaphore(%arg23 : memref<!tpu.dma_semaphore, #tpu.memory_space<semaphore_mem>>) src(%dma_wait3A_156 : memref<80x128xf32, #tpu.memory_space<hbm>>) dst(%arg19 : memref<80x128xf32, #tpu.memory_space<vmem>>)
        %scan3A_157 = arith.constant 0 : i32
        %scan3A_158 = arith.constant 0 : i32
        %scan3A_159 = arith.constant 80 : i32
        %scan3A_160 = arith.addi %scan3A_158, %scan3A_159 : i32
        %scan3A_161 = arith.constant 1 : i32
        scf.for %scan3A_170 = %scan3A_158 to %scan3A_160 step %scan3A_161  : i32 {
          %get3A = arith.index_cast %scan3A_170 : i32 to index
          %get3A_171 = arith.constant 0 : index
          %get3A_172 = tpu.vector_load %arg19[%get3A, %get3A_171] {strides = array<i32>} : memref<80x128xf32, #tpu.memory_space<vmem>>, vector<1x16xf32>,
          %get3A_173 = vector.shape_cast %get3A_172 : vector<1x16xf32> to vector<16xf32>
          %get3A_174 = arith.index_cast %scan3A_170 : i32 to index
          %get3A_175 = arith.constant 0 : index
          %get3A_176 = tpu.vector_load %arg11[%get3A_174, %get3A_175] {strides = array<i32>} : memref<80x128xf32, #tpu.memory_space<vmem>>, vector<1x16xf32>,
          %get3A_177 = vector.shape_cast %get3A_176 : vector<1x16xf32> to vector<16xf32>
          %add3A_178 = arith.addf %get3A_173, %get3A_177 : vector<16xf32>
          %get3A_179 = arith.index_cast %scan3A_170 : i32 to index
          %get3A_180 = arith.constant 0 : index
          %get3A_181 = tpu.vector_load %arg15[%get3A_179, %get3A_180] {strides = array<i32>} : memref<80x128xf32, #tpu.memory_space<vmem>>, vector<1x16xf32>,
          %get3A_182 = vector.shape_cast %get3A_181 : vector<1x16xf32> to vector<16xf32>
          %add3A_183 = arith.addf %add3A_178, %get3A_182 : vector<16xf32>
          %swap3A = arith.index_cast %scan3A_170 : i32 to index
          %swap3A_184 = arith.constant 0 : index
          %swap3A_185 = tpu.vector_load %arg19[%swap3A, %swap3A_184] {strides = array<i32>} : memref<80x128xf32, #tpu.memory_space<vmem>>, vector<1x16xf32>,
          %swap3A_186 = vector.shape_cast %swap3A_185 : vector<1x16xf32> to vector<16xf32>
          %swap3A_187 = vector.shape_cast %add3A_183 : vector<16xf32> to vector<1x16xf32>
          tpu.vector_store %arg19[%swap3A, %swap3A_184], %swap3A_187 {strides = array<i32>} : memref<80x128xf32, #tpu.memory_space<vmem>>, vector<1x16xf32>,
          %get3A_188 = arith.index_cast %scan3A_170 : i32 to index
          %get3A_189 = arith.constant 16 : index
          %get3A_190 = tpu.vector_load %arg19[%get3A_188, %get3A_189] {strides = array<i32>} : memref<80x128xf32, #tpu.memory_space<vmem>>, vector<1x16xf32>,
          %get3A_191 = vector.shape_cast %get3A_190 : vector<1x16xf32> to vector<16xf32>
          %get3A_192 = arith.index_cast %scan3A_170 : i32 to index
          %get3A_193 = arith.constant 16 : index
          %get3A_194 = tpu.vector_load %arg11[%get3A_192, %get3A_193] {strides = array<i32>} : memref<80x128xf32, #tpu.memory_space<vmem>>, vector<1x16xf32>,
          %get3A_195 = vector.shape_cast %get3A_194 : vector<1x16xf32> to vector<16xf32>
          %add3A_196 = arith.addf %get3A_191, %get3A_195 : vector<16xf32>
          %get3A_197 = arith.index_cast %scan3A_170 : i32 to index
          %get3A_198 = arith.constant 16 : index
          %get3A_199 = tpu.vector_load %arg15[%get3A_197, %get3A_198] {strides = array<i32>} : memref<80x128xf32, #tpu.memory_space<vmem>>, vector<1x16xf32>,
          %get3A_200 = vector.shape_cast %get3A_199 : vector<1x16xf32> to vector<16xf32>
          %add3A_201 = arith.addf %add3A_196, %get3A_200 : vector<16xf32>
          %swap3A_202 = arith.index_cast %scan3A_170 : i32 to index
          %swap3A_203 = arith.constant 16 : index
          %swap3A_204 = tpu.vector_load %arg19[%swap3A_202, %swap3A_203] {strides = array<i32>} : memref<80x128xf32, #tpu.memory_space<vmem>>, vector<1x16xf32>,
          %swap3A_205 = vector.shape_cast %swap3A_204 : vector<1x16xf32> to vector<16xf32>
          %swap3A_206 = vector.shape_cast %add3A_201 : vector<16xf32> to vector<1x16xf32>
          tpu.vector_store %arg19[%swap3A_202, %swap3A_203], %swap3A_206 {strides = array<i32>} : memref<80x128xf32, #tpu.memory_space<vmem>>, vector<1x16xf32>,
          %get3A_207 = arith.index_cast %scan3A_170 : i32 to index
          %get3A_208 = arith.constant 32 : index
          %get3A_209 = tpu.vector_load %arg19[%get3A_207, %get3A_208] {strides = array<i32>} : memref<80x128xf32, #tpu.memory_space<vmem>>, vector<1x16xf32>,
          %get3A_210 = vector.shape_cast %get3A_209 : vector<1x16xf32> to vector<16xf32>
          %get3A_211 = arith.index_cast %scan3A_170 : i32 to index
          %get3A_212 = arith.constant 32 : index
          %get3A_213 = tpu.vector_load %arg11[%get3A_211, %get3A_212] {strides = array<i32>} : memref<80x128xf32, #tpu.memory_space<vmem>>, vector<1x16xf32>,
          %get3A_214 = vector.shape_cast %get3A_213 : vector<1x16xf32> to vector<16xf32>
          %add3A_215 = arith.addf %get3A_210, %get3A_214 : vector<16xf32>
          %get3A_216 = arith.index_cast %scan3A_170 : i32 to index
          %get3A_217 = arith.constant 32 : index
          %get3A_218 = tpu.vector_load %arg15[%get3A_216, %get3A_217] {strides = array<i32>} : memref<80x128xf32, #tpu.memory_space<vmem>>, vector<1x16xf32>,
          %get3A_219 = vector.shape_cast %get3A_218 : vector<1x16xf32> to vector<16xf32>
          %add3A_220 = arith.addf %add3A_215, %get3A_219 : vector<16xf32>
          %swap3A_221 = arith.index_cast %scan3A_170 : i32 to index
          %swap3A_222 = arith.constant 32 : index
          %swap3A_223 = tpu.vector_load %arg19[%swap3A_221, %swap3A_222] {strides = array<i32>} : memref<80x128xf32, #tpu.memory_space<vmem>>, vector<1x16xf32>,
          %swap3A_224 = vector.shape_cast %swap3A_223 : vector<1x16xf32> to vector<16xf32>
          %swap3A_225 = vector.shape_cast %add3A_220 : vector<16xf32> to vector<1x16xf32>
          tpu.vector_store %arg19[%swap3A_221, %swap3A_222], %swap3A_225 {strides = array<i32>} : memref<80x128xf32, #tpu.memory_space<vmem>>, vector<1x16xf32>,
          %get3A_226 = arith.index_cast %scan3A_170 : i32 to index
          %get3A_227 = arith.constant 48 : index
          %get3A_228 = tpu.vector_load %arg19[%get3A_226, %get3A_227] {strides = array<i32>} : memref<80x128xf32, #tpu.memory_space<vmem>>, vector<1x16xf32>,
          %get3A_229 = vector.shape_cast %get3A_228 : vector<1x16xf32> to vector<16xf32>
          %get3A_230 = arith.index_cast %scan3A_170 : i32 to index
          %get3A_231 = arith.constant 48 : index
          %get3A_232 = tpu.vector_load %arg11[%get3A_230, %get3A_231] {strides = array<i32>} : memref<80x128xf32, #tpu.memory_space<vmem>>, vector<1x16xf32>,
          %get3A_233 = vector.shape_cast %get3A_232 : vector<1x16xf32> to vector<16xf32>
          %add3A_234 = arith.addf %get3A_229, %get3A_233 : vector<16xf32>
          %get3A_235 = arith.index_cast %scan3A_170 : i32 to index
          %get3A_236 = arith.constant 48 : index
          %get3A_237 = tpu.vector_load %arg15[%get3A_235, %get3A_236] {strides = array<i32>} : memref<80x128xf32, #tpu.memory_space<vmem>>, vector<1x16xf32>,
          %get3A_238 = vector.shape_cast %get3A_237 : vector<1x16xf32> to vector<16xf32>
          %add3A_239 = arith.addf %add3A_234, %get3A_238 : vector<16xf32>
          %swap3A_240 = arith.index_cast %scan3A_170 : i32 to index
          %swap3A_241 = arith.constant 48 : index
          %swap3A_242 = tpu.vector_load %arg19[%swap3A_240, %swap3A_241] {strides = array<i32>} : memref<80x128xf32, #tpu.memory_space<vmem>>, vector<1x16xf32>,
          %swap3A_243 = vector.shape_cast %swap3A_242 : vector<1x16xf32> to vector<16xf32>
          %swap3A_244 = vector.shape_cast %add3A_239 : vector<16xf32> to vector<1x16xf32>
          tpu.vector_store %arg19[%swap3A_240, %swap3A_241], %swap3A_244 {strides = array<i32>} : memref<80x128xf32, #tpu.memory_space<vmem>>, vector<1x16xf32>,
          %get3A_245 = arith.index_cast %scan3A_170 : i32 to index
          %get3A_246 = arith.constant 64 : index
          %get3A_247 = tpu.vector_load %arg19[%get3A_245, %get3A_246] {strides = array<i32>} : memref<80x128xf32, #tpu.memory_space<vmem>>, vector<1x16xf32>,
          %get3A_248 = vector.shape_cast %get3A_247 : vector<1x16xf32> to vector<16xf32>
          %get3A_249 = arith.index_cast %scan3A_170 : i32 to index
          %get3A_250 = arith.constant 64 : index
          %get3A_251 = tpu.vector_load %arg11[%get3A_249, %get3A_250] {strides = array<i32>} : memref<80x128xf32, #tpu.memory_space<vmem>>, vector<1x16xf32>,
          %get3A_252 = vector.shape_cast %get3A_251 : vector<1x16xf32> to vector<16xf32>
          %add3A_253 = arith.addf %get3A_248, %get3A_252 : vector<16xf32>
          %get3A_254 = arith.index_cast %scan3A_170 : i32 to index
          %get3A_255 = arith.constant 64 : index
          %get3A_256 = tpu.vector_load %arg15[%get3A_254, %get3A_255] {strides = array<i32>} : memref<80x128xf32, #tpu.memory_space<vmem>>, vector<1x16xf32>,
          %get3A_257 = vector.shape_cast %get3A_256 : vector<1x16xf32> to vector<16xf32>
          %add3A_258 = arith.addf %add3A_253, %get3A_257 : vector<16xf32>
          %swap3A_259 = arith.index_cast %scan3A_170 : i32 to index
          %swap3A_260 = arith.constant 64 : index
          %swap3A_261 = tpu.vector_load %arg19[%swap3A_259, %swap3A_260] {strides = array<i32>} : memref<80x128xf32, #tpu.memory_space<vmem>>, vector<1x16xf32>,
          %swap3A_262 = vector.shape_cast %swap3A_261 : vector<1x16xf32> to vector<16xf32>
          %swap3A_263 = vector.shape_cast %add3A_258 : vector<16xf32> to vector<1x16xf32>
          tpu.vector_store %arg19[%swap3A_259, %swap3A_260], %swap3A_263 {strides = array<i32>} : memref<80x128xf32, #tpu.memory_space<vmem>>, vector<1x16xf32>,
          %get3A_264 = arith.index_cast %scan3A_170 : i32 to index
          %get3A_265 = arith.constant 80 : index
          %get3A_266 = tpu.vector_load %arg19[%get3A_264, %get3A_265] {strides = array<i32>} : memref<80x128xf32, #tpu.memory_space<vmem>>, vector<1x16xf32>,
          %get3A_267 = vector.shape_cast %get3A_266 : vector<1x16xf32> to vector<16xf32>
          %get3A_268 = arith.index_cast %scan3A_170 : i32 to index
          %get3A_269 = arith.constant 80 : index
          %get3A_270 = tpu.vector_load %arg11[%get3A_268, %get3A_269] {strides = array<i32>} : memref<80x128xf32, #tpu.memory_space<vmem>>, vector<1x16xf32>,
          %get3A_271 = vector.shape_cast %get3A_270 : vector<1x16xf32> to vector<16xf32>
          %add3A_272 = arith.addf %get3A_267, %get3A_271 : vector<16xf32>
          %get3A_273 = arith.index_cast %scan3A_170 : i32 to index
          %get3A_274 = arith.constant 80 : index
          %get3A_275 = tpu.vector_load %arg15[%get3A_273, %get3A_274] {strides = array<i32>} : memref<80x128xf32, #tpu.memory_space<vmem>>, vector<1x16xf32>,
          %get3A_276 = vector.shape_cast %get3A_275 : vector<1x16xf32> to vector<16xf32>
          %add3A_277 = arith.addf %add3A_272, %get3A_276 : vector<16xf32>
          %swap3A_278 = arith.index_cast %scan3A_170 : i32 to index
          %swap3A_279 = arith.constant 80 : index
          %swap3A_280 = tpu.vector_load %arg19[%swap3A_278, %swap3A_279] {strides = array<i32>} : memref<80x128xf32, #tpu.memory_space<vmem>>, vector<1x16xf32>,
          %swap3A_281 = vector.shape_cast %swap3A_280 : vector<1x16xf32> to vector<16xf32>
          %swap3A_282 = vector.shape_cast %add3A_277 : vector<16xf32> to vector<1x16xf32>
          tpu.vector_store %arg19[%swap3A_278, %swap3A_279], %swap3A_282 {strides = array<i32>} : memref<80x128xf32, #tpu.memory_space<vmem>>, vector<1x16xf32>,
          %get3A_283 = arith.index_cast %scan3A_170 : i32 to index
          %get3A_284 = arith.constant 96 : index
          %get3A_285 = tpu.vector_load %arg19[%get3A_283, %get3A_284] {strides = array<i32>} : memref<80x128xf32, #tpu.memory_space<vmem>>, vector<1x16xf32>,
          %get3A_286 = vector.shape_cast %get3A_285 : vector<1x16xf32> to vector<16xf32>
          %get3A_287 = arith.index_cast %scan3A_170 : i32 to index
          %get3A_288 = arith.constant 96 : index
          %get3A_289 = tpu.vector_load %arg11[%get3A_287, %get3A_288] {strides = array<i32>} : memref<80x128xf32, #tpu.memory_space<vmem>>, vector<1x16xf32>,
          %get3A_290 = vector.shape_cast %get3A_289 : vector<1x16xf32> to vector<16xf32>
          %add3A_291 = arith.addf %get3A_286, %get3A_290 : vector<16xf32>
          %get3A_292 = arith.index_cast %scan3A_170 : i32 to index
          %get3A_293 = arith.constant 96 : index
          %get3A_294 = tpu.vector_load %arg15[%get3A_292, %get3A_293] {strides = array<i32>} : memref<80x128xf32, #tpu.memory_space<vmem>>, vector<1x16xf32>,
          %get3A_295 = vector.shape_cast %get3A_294 : vector<1x16xf32> to vector<16xf32>
          %add3A_296 = arith.addf %add3A_291, %get3A_295 : vector<16xf32>
          %swap3A_297 = arith.index_cast %scan3A_170 : i32 to index
          %swap3A_298 = arith.constant 96 : index
          %swap3A_299 = tpu.vector_load %arg19[%swap3A_297, %swap3A_298] {strides = array<i32>} : memref<80x128xf32, #tpu.memory_space<vmem>>, vector<1x16xf32>,
          %swap3A_300 = vector.shape_cast %swap3A_299 : vector<1x16xf32> to vector<16xf32>
          %swap3A_301 = vector.shape_cast %add3A_296 : vector<16xf32> to vector<1x16xf32>
          tpu.vector_store %arg19[%swap3A_297, %swap3A_298], %swap3A_301 {strides = array<i32>} : memref<80x128xf32, #tpu.memory_space<vmem>>, vector<1x16xf32>,
          %get3A_302 = arith.index_cast %scan3A_170 : i32 to index
          %get3A_303 = arith.constant 112 : index
          %get3A_304 = tpu.vector_load %arg19[%get3A_302, %get3A_303] {strides = array<i32>} : memref<80x128xf32, #tpu.memory_space<vmem>>, vector<1x16xf32>,
          %get3A_305 = vector.shape_cast %get3A_304 : vector<1x16xf32> to vector<16xf32>
          %get3A_306 = arith.index_cast %scan3A_170 : i32 to index
          %get3A_307 = arith.constant 112 : index
          %get3A_308 = tpu.vector_load %arg11[%get3A_306, %get3A_307] {strides = array<i32>} : memref<80x128xf32, #tpu.memory_space<vmem>>, vector<1x16xf32>,
          %get3A_309 = vector.shape_cast %get3A_308 : vector<1x16xf32> to vector<16xf32>
          %add3A_310 = arith.addf %get3A_305, %get3A_309 : vector<16xf32>
          %get3A_311 = arith.index_cast %scan3A_170 : i32 to index
          %get3A_312 = arith.constant 112 : index
          %get3A_313 = tpu.vector_load %arg15[%get3A_311, %get3A_312] {strides = array<i32>} : memref<80x128xf32, #tpu.memory_space<vmem>>, vector<1x16xf32>,
          %get3A_314 = vector.shape_cast %get3A_313 : vector<1x16xf32> to vector<16xf32>
          %add3A_315 = arith.addf %add3A_310, %get3A_314 : vector<16xf32>
          %swap3A_316 = arith.index_cast %scan3A_170 : i32 to index
          %swap3A_317 = arith.constant 112 : index
          %swap3A_318 = tpu.vector_load %arg19[%swap3A_316, %swap3A_317] {strides = array<i32>} : memref<80x128xf32, #tpu.memory_space<vmem>>, vector<1x16xf32>,
          %swap3A_319 = vector.shape_cast %swap3A_318 : vector<1x16xf32> to vector<16xf32>
          %swap3A_320 = vector.shape_cast %add3A_315 : vector<16xf32> to vector<1x16xf32>
          tpu.vector_store %arg19[%swap3A_316, %swap3A_317], %swap3A_320 {strides = array<i32>} : memref<80x128xf32, #tpu.memory_space<vmem>>, vector<1x16xf32>,
        }
        %scan3A_162 = arith.constant 80 : i32
        %mul3A_163 = arith.constant 80 : i32
        %mul3A_164 = arith.muli %add3A_98, %mul3A_163 : i32
        %add3A_165 = arith.addi %multiple_of3A, %mul3A_164 : i32
        %dma_start3A_166 = arith.constant 0 : i32
        %dma_start3A_167 = tpu.memref_slice %arg7[%add3A_165, %dma_start3A_166] : memref<100000x128xf32, #tpu.memory_space<hbm>> -> memref<80x128xf32, #tpu.memory_space<hbm>>
        %dma_start3A_168 = arith.constant 0 : i32
        %dma_start3A_169 = tpu.memref_slice %arg7[%add3A_165, %dma_start3A_168] : memref<100000x128xf32, #tpu.memory_space<hbm>> -> memref<80x128xf32, #tpu.memory_space<hbm>>
        tpu.enqueue_dma source(%arg19 : memref<80x128xf32, #tpu.memory_space<vmem>>) target(%dma_start3A_169 : memref<80x128xf32, #tpu.memory_space<hbm>>) target_semaphore(%arg27 : memref<!tpu.dma_semaphore, #tpu.memory_space<semaphore_mem>>)
      } else {
      }
      %mul3A_111 = arith.constant 4 : i32
      %mul3A_112 = arith.muli %scan3A_79, %mul3A_111 : i32
      %add3A_113 = arith.constant 2 : i32
      %add3A_114 = arith.addi %mul3A_112, %add3A_113 : i32
      %add3A_115 = arith.constant 2 : i32
      %add3A_116 = arith.addi %add3A_114, %add3A_115 : i32
      %lt3A_117 = arith.constant 39 : i32
      %lt3A_118 = arith.cmpi slt, %add3A_116, %lt3A_117 : i32
      %convert_element_type3A_119 = arith.extui %lt3A_118 : i1 to i32
      %cond3A_120 = arith.constant 0 : i32
      %cond3A_121 = arith.cmpi ne, %convert_element_type3A_119, %cond3A_120 : i32
      scf.if %cond3A_121 {
        %ge3A = arith.constant 2 : i32
        %ge3A_143 = arith.cmpi sge, %add3A_114, %ge3A : i32
        %convert_element_type3A_144 = arith.extui %ge3A_143 : i1 to i32
        %cond3A_145 = arith.constant 0 : i32
        %cond3A_146 = arith.cmpi ne, %convert_element_type3A_144, %cond3A_145 : i32
        scf.if %cond3A_146 {
          %dma_wait3A_168 = arith.constant 0 : i32
          %dma_wait3A_169 = tpu.memref_slice %arg7[%multiple_of3A, %dma_wait3A_168] : memref<100000x128xf32, #tpu.memory_space<hbm>> -> memref<80x128xf32, #tpu.memory_space<hbm>>
          %dma_wait3A_170 = arith.constant 0 : i32
          %dma_wait3A_171 = tpu.memref_slice %arg7[%multiple_of3A, %dma_wait3A_170] : memref<100000x128xf32, #tpu.memory_space<hbm>> -> memref<80x128xf32, #tpu.memory_space<hbm>>
          tpu.wait_dma2 semaphore(%arg26 : memref<!tpu.dma_semaphore, #tpu.memory_space<semaphore_mem>>) src(%arg18 : memref<80x128xf32, #tpu.memory_space<vmem>>) dst(%dma_wait3A_171 : memref<80x128xf32, #tpu.memory_space<hbm>>)
        } else {
        }
        %add3A_147 = arith.constant 2 : i32
        %add3A_148 = arith.addi %add3A_114, %add3A_147 : i32
        %mul3A_149 = arith.constant 80 : i32
        %mul3A_150 = arith.muli %add3A_148, %mul3A_149 : i32
        %dma_start3A_151 = tpu.memref_slice %arg8[%mul3A_150] : memref<3128xi32, #tpu.memory_space<vmem>> -> memref<80xi32, #tpu.memory_space<vmem>>
        %dma_start3A_152 = arith.constant 0 : i32
        %dma_start3A_153 = arith.constant 0 : i32
        %dma_start3A_154 = tpu.memref_slice %arg5[%dma_start3A_152, %dma_start3A_153] : memref<513x128xf32, #tpu.memory_space<hbm>> -> memref<513x128xf32, #tpu.memory_space<hbm>>
        tpu.enqueue_indirect_dma source(%dma_start3A_154 : memref<513x128xf32, #tpu.memory_space<hbm>>) target(%arg10 : memref<80x128xf32, #tpu.memory_space<vmem>>) offsets(%dma_start3A_151 : memref<80xi32, #tpu.memory_space<vmem>>) semaphore(%arg22 : memref<!tpu.dma_semaphore, #tpu.memory_space<semaphore_mem>>)
        %mul3A_155 = arith.constant 80 : i32
        %mul3A_156 = arith.muli %add3A_148, %mul3A_155 : i32
        %dma_start3A_157 = tpu.memref_slice %arg9[%mul3A_156] : memref<3128xi32, #tpu.memory_space<vmem>> -> memref<80xi32, #tpu.memory_space<vmem>>
        %dma_start3A_158 = arith.constant 0 : i32
        %dma_start3A_159 = arith.constant 0 : i32
        %dma_start3A_160 = tpu.memref_slice %arg6[%dma_start3A_158, %dma_start3A_159] : memref<513x128xf32, #tpu.memory_space<hbm>> -> memref<513x128xf32, #tpu.memory_space<hbm>>
        tpu.enqueue_indirect_dma source(%dma_start3A_160 : memref<513x128xf32, #tpu.memory_space<hbm>>) target(%arg14 : memref<80x128xf32, #tpu.memory_space<vmem>>) offsets(%dma_start3A_157 : memref<80xi32, #tpu.memory_space<vmem>>) semaphore(%arg22 : memref<!tpu.dma_semaphore, #tpu.memory_space<semaphore_mem>>)
        %mul3A_161 = arith.constant 80 : i32
        %mul3A_162 = arith.muli %add3A_148, %mul3A_161 : i32
        %add3A_163 = arith.addi %multiple_of3A, %mul3A_162 : i32
        %dma_start3A_164 = arith.constant 0 : i32
        %dma_start3A_165 = tpu.memref_slice %arg2[%add3A_163, %dma_start3A_164] : memref<100000x128xf32, #tpu.memory_space<hbm>> -> memref<80x128xf32, #tpu.memory_space<hbm>>
        %dma_start3A_166 = arith.constant 0 : i32
        %dma_start3A_167 = tpu.memref_slice %arg2[%add3A_163, %dma_start3A_166] : memref<100000x128xf32, #tpu.memory_space<hbm>> -> memref<80x128xf32, #tpu.memory_space<hbm>>
        tpu.enqueue_dma source(%dma_start3A_167 : memref<80x128xf32, #tpu.memory_space<hbm>>) target(%arg18 : memref<80x128xf32, #tpu.memory_space<vmem>>) target_semaphore(%arg22 : memref<!tpu.dma_semaphore, #tpu.memory_space<semaphore_mem>>)
      } else {
      }
      %lt3A_122 = arith.constant 39 : i32
      %lt3A_123 = arith.cmpi slt, %add3A_114, %lt3A_122 : i32
      %convert_element_type3A_124 = arith.extui %lt3A_123 : i1 to i32
      %cond3A_125 = arith.constant 0 : i32
      %cond3A_126 = arith.cmpi ne, %convert_element_type3A_124, %cond3A_125 : i32
      scf.if %cond3A_126 {
        %dma_wait3A_143 = arith.constant 0 : i32
        %dma_wait3A_144 = tpu.memref_slice %arg8[%dma_wait3A_143] : memref<3128xi32, #tpu.memory_space<vmem>> -> memref<80xi32, #tpu.memory_space<vmem>>
        %dma_wait3A_145 = arith.constant 0 : i32
        %dma_wait3A_146 = arith.constant 0 : i32
        %dma_wait3A_147 = tpu.memref_slice %arg5[%dma_wait3A_145, %dma_wait3A_146] : memref<513x128xf32, #tpu.memory_space<hbm>> -> memref<513x128xf32, #tpu.memory_space<hbm>>
        tpu.wait_indirect_dma semaphore(%arg24 : memref<!tpu.dma_semaphore, #tpu.memory_space<semaphore_mem>>) src(%dma_wait3A_147 : memref<513x128xf32, #tpu.memory_space<hbm>>) dst(%arg12 : memref<80x128xf32, #tpu.memory_space<vmem>>)
        %dma_wait3A_148 = arith.constant 0 : i32
        %dma_wait3A_149 = tpu.memref_slice %arg9[%dma_wait3A_148] : memref<3128xi32, #tpu.memory_space<vmem>> -> memref<80xi32, #tpu.memory_space<vmem>>
        %dma_wait3A_150 = arith.constant 0 : i32
        %dma_wait3A_151 = arith.constant 0 : i32
        %dma_wait3A_152 = tpu.memref_slice %arg6[%dma_wait3A_150, %dma_wait3A_151] : memref<513x128xf32, #tpu.memory_space<hbm>> -> memref<513x128xf32, #tpu.memory_space<hbm>>
        tpu.wait_indirect_dma semaphore(%arg24 : memref<!tpu.dma_semaphore, #tpu.memory_space<semaphore_mem>>) src(%dma_wait3A_152 : memref<513x128xf32, #tpu.memory_space<hbm>>) dst(%arg16 : memref<80x128xf32, #tpu.memory_space<vmem>>)
        %dma_wait3A_153 = arith.constant 0 : i32
        %dma_wait3A_154 = tpu.memref_slice %arg2[%multiple_of3A, %dma_wait3A_153] : memref<100000x128xf32, #tpu.memory_space<hbm>> -> memref<80x128xf32, #tpu.memory_space<hbm>>
        %dma_wait3A_155 = arith.constant 0 : i32
        %dma_wait3A_156 = tpu.memref_slice %arg2[%multiple_of3A, %dma_wait3A_155] : memref<100000x128xf32, #tpu.memory_space<hbm>> -> memref<80x128xf32, #tpu.memory_space<hbm>>
        tpu.wait_dma2 semaphore(%arg24 : memref<!tpu.dma_semaphore, #tpu.memory_space<semaphore_mem>>) src(%dma_wait3A_156 : memref<80x128xf32, #tpu.memory_space<hbm>>) dst(%arg20 : memref<80x128xf32, #tpu.memory_space<vmem>>)
        %scan3A_157 = arith.constant 0 : i32
        %scan3A_158 = arith.constant 0 : i32
        %scan3A_159 = arith.constant 80 : i32
        %scan3A_160 = arith.addi %scan3A_158, %scan3A_159 : i32
        %scan3A_161 = arith.constant 1 : i32
        scf.for %scan3A_170 = %scan3A_158 to %scan3A_160 step %scan3A_161  : i32 {
          %get3A = arith.index_cast %scan3A_170 : i32 to index
          %get3A_171 = arith.constant 0 : index
          %get3A_172 = tpu.vector_load %arg20[%get3A, %get3A_171] {strides = array<i32>} : memref<80x128xf32, #tpu.memory_space<vmem>>, vector<1x16xf32>,
          %get3A_173 = vector.shape_cast %get3A_172 : vector<1x16xf32> to vector<16xf32>
          %get3A_174 = arith.index_cast %scan3A_170 : i32 to index
          %get3A_175 = arith.constant 0 : index
          %get3A_176 = tpu.vector_load %arg12[%get3A_174, %get3A_175] {strides = array<i32>} : memref<80x128xf32, #tpu.memory_space<vmem>>, vector<1x16xf32>,
          %get3A_177 = vector.shape_cast %get3A_176 : vector<1x16xf32> to vector<16xf32>
          %add3A_178 = arith.addf %get3A_173, %get3A_177 : vector<16xf32>
          %get3A_179 = arith.index_cast %scan3A_170 : i32 to index
          %get3A_180 = arith.constant 0 : index
          %get3A_181 = tpu.vector_load %arg16[%get3A_179, %get3A_180] {strides = array<i32>} : memref<80x128xf32, #tpu.memory_space<vmem>>, vector<1x16xf32>,
          %get3A_182 = vector.shape_cast %get3A_181 : vector<1x16xf32> to vector<16xf32>
          %add3A_183 = arith.addf %add3A_178, %get3A_182 : vector<16xf32>
          %swap3A = arith.index_cast %scan3A_170 : i32 to index
          %swap3A_184 = arith.constant 0 : index
          %swap3A_185 = tpu.vector_load %arg20[%swap3A, %swap3A_184] {strides = array<i32>} : memref<80x128xf32, #tpu.memory_space<vmem>>, vector<1x16xf32>,
          %swap3A_186 = vector.shape_cast %swap3A_185 : vector<1x16xf32> to vector<16xf32>
          %swap3A_187 = vector.shape_cast %add3A_183 : vector<16xf32> to vector<1x16xf32>
          tpu.vector_store %arg20[%swap3A, %swap3A_184], %swap3A_187 {strides = array<i32>} : memref<80x128xf32, #tpu.memory_space<vmem>>, vector<1x16xf32>,
          %get3A_188 = arith.index_cast %scan3A_170 : i32 to index
          %get3A_189 = arith.constant 16 : index
          %get3A_190 = tpu.vector_load %arg20[%get3A_188, %get3A_189] {strides = array<i32>} : memref<80x128xf32, #tpu.memory_space<vmem>>, vector<1x16xf32>,
          %get3A_191 = vector.shape_cast %get3A_190 : vector<1x16xf32> to vector<16xf32>
          %get3A_192 = arith.index_cast %scan3A_170 : i32 to index
          %get3A_193 = arith.constant 16 : index
          %get3A_194 = tpu.vector_load %arg12[%get3A_192, %get3A_193] {strides = array<i32>} : memref<80x128xf32, #tpu.memory_space<vmem>>, vector<1x16xf32>,
          %get3A_195 = vector.shape_cast %get3A_194 : vector<1x16xf32> to vector<16xf32>
          %add3A_196 = arith.addf %get3A_191, %get3A_195 : vector<16xf32>
          %get3A_197 = arith.index_cast %scan3A_170 : i32 to index
          %get3A_198 = arith.constant 16 : index
          %get3A_199 = tpu.vector_load %arg16[%get3A_197, %get3A_198] {strides = array<i32>} : memref<80x128xf32, #tpu.memory_space<vmem>>, vector<1x16xf32>,
          %get3A_200 = vector.shape_cast %get3A_199 : vector<1x16xf32> to vector<16xf32>
          %add3A_201 = arith.addf %add3A_196, %get3A_200 : vector<16xf32>
          %swap3A_202 = arith.index_cast %scan3A_170 : i32 to index
          %swap3A_203 = arith.constant 16 : index
          %swap3A_204 = tpu.vector_load %arg20[%swap3A_202, %swap3A_203] {strides = array<i32>} : memref<80x128xf32, #tpu.memory_space<vmem>>, vector<1x16xf32>,
          %swap3A_205 = vector.shape_cast %swap3A_204 : vector<1x16xf32> to vector<16xf32>
          %swap3A_206 = vector.shape_cast %add3A_201 : vector<16xf32> to vector<1x16xf32>
          tpu.vector_store %arg20[%swap3A_202, %swap3A_203], %swap3A_206 {strides = array<i32>} : memref<80x128xf32, #tpu.memory_space<vmem>>, vector<1x16xf32>,
          %get3A_207 = arith.index_cast %scan3A_170 : i32 to index
          %get3A_208 = arith.constant 32 : index
          %get3A_209 = tpu.vector_load %arg20[%get3A_207, %get3A_208] {strides = array<i32>} : memref<80x128xf32, #tpu.memory_space<vmem>>, vector<1x16xf32>,
          %get3A_210 = vector.shape_cast %get3A_209 : vector<1x16xf32> to vector<16xf32>
          %get3A_211 = arith.index_cast %scan3A_170 : i32 to index
          %get3A_212 = arith.constant 32 : index
          %get3A_213 = tpu.vector_load %arg12[%get3A_211, %get3A_212] {strides = array<i32>} : memref<80x128xf32, #tpu.memory_space<vmem>>, vector<1x16xf32>,
          %get3A_214 = vector.shape_cast %get3A_213 : vector<1x16xf32> to vector<16xf32>
          %add3A_215 = arith.addf %get3A_210, %get3A_214 : vector<16xf32>
          %get3A_216 = arith.index_cast %scan3A_170 : i32 to index
          %get3A_217 = arith.constant 32 : index
          %get3A_218 = tpu.vector_load %arg16[%get3A_216, %get3A_217] {strides = array<i32>} : memref<80x128xf32, #tpu.memory_space<vmem>>, vector<1x16xf32>,
          %get3A_219 = vector.shape_cast %get3A_218 : vector<1x16xf32> to vector<16xf32>
          %add3A_220 = arith.addf %add3A_215, %get3A_219 : vector<16xf32>
          %swap3A_221 = arith.index_cast %scan3A_170 : i32 to index
          %swap3A_222 = arith.constant 32 : index
          %swap3A_223 = tpu.vector_load %arg20[%swap3A_221, %swap3A_222] {strides = array<i32>} : memref<80x128xf32, #tpu.memory_space<vmem>>, vector<1x16xf32>,
          %swap3A_224 = vector.shape_cast %swap3A_223 : vector<1x16xf32> to vector<16xf32>
          %swap3A_225 = vector.shape_cast %add3A_220 : vector<16xf32> to vector<1x16xf32>
          tpu.vector_store %arg20[%swap3A_221, %swap3A_222], %swap3A_225 {strides = array<i32>} : memref<80x128xf32, #tpu.memory_space<vmem>>, vector<1x16xf32>,
          %get3A_226 = arith.index_cast %scan3A_170 : i32 to index
          %get3A_227 = arith.constant 48 : index
          %get3A_228 = tpu.vector_load %arg20[%get3A_226, %get3A_227] {strides = array<i32>} : memref<80x128xf32, #tpu.memory_space<vmem>>, vector<1x16xf32>,
          %get3A_229 = vector.shape_cast %get3A_228 : vector<1x16xf32> to vector<16xf32>
          %get3A_230 = arith.index_cast %scan3A_170 : i32 to index
          %get3A_231 = arith.constant 48 : index
          %get3A_232 = tpu.vector_load %arg12[%get3A_230, %get3A_231] {strides = array<i32>} : memref<80x128xf32, #tpu.memory_space<vmem>>, vector<1x16xf32>,
          %get3A_233 = vector.shape_cast %get3A_232 : vector<1x16xf32> to vector<16xf32>
          %add3A_234 = arith.addf %get3A_229, %get3A_233 : vector<16xf32>
          %get3A_235 = arith.index_cast %scan3A_170 : i32 to index
          %get3A_236 = arith.constant 48 : index
          %get3A_237 = tpu.vector_load %arg16[%get3A_235, %get3A_236] {strides = array<i32>} : memref<80x128xf32, #tpu.memory_space<vmem>>, vector<1x16xf32>,
          %get3A_238 = vector.shape_cast %get3A_237 : vector<1x16xf32> to vector<16xf32>
          %add3A_239 = arith.addf %add3A_234, %get3A_238 : vector<16xf32>
          %swap3A_240 = arith.index_cast %scan3A_170 : i32 to index
          %swap3A_241 = arith.constant 48 : index
          %swap3A_242 = tpu.vector_load %arg20[%swap3A_240, %swap3A_241] {strides = array<i32>} : memref<80x128xf32, #tpu.memory_space<vmem>>, vector<1x16xf32>,
          %swap3A_243 = vector.shape_cast %swap3A_242 : vector<1x16xf32> to vector<16xf32>
          %swap3A_244 = vector.shape_cast %add3A_239 : vector<16xf32> to vector<1x16xf32>
          tpu.vector_store %arg20[%swap3A_240, %swap3A_241], %swap3A_244 {strides = array<i32>} : memref<80x128xf32, #tpu.memory_space<vmem>>, vector<1x16xf32>,
          %get3A_245 = arith.index_cast %scan3A_170 : i32 to index
          %get3A_246 = arith.constant 64 : index
          %get3A_247 = tpu.vector_load %arg20[%get3A_245, %get3A_246] {strides = array<i32>} : memref<80x128xf32, #tpu.memory_space<vmem>>, vector<1x16xf32>,
          %get3A_248 = vector.shape_cast %get3A_247 : vector<1x16xf32> to vector<16xf32>
          %get3A_249 = arith.index_cast %scan3A_170 : i32 to index
          %get3A_250 = arith.constant 64 : index
          %get3A_251 = tpu.vector_load %arg12[%get3A_249, %get3A_250] {strides = array<i32>} : memref<80x128xf32, #tpu.memory_space<vmem>>, vector<1x16xf32>,
          %get3A_252 = vector.shape_cast %get3A_251 : vector<1x16xf32> to vector<16xf32>
          %add3A_253 = arith.addf %get3A_248, %get3A_252 : vector<16xf32>
          %get3A_254 = arith.index_cast %scan3A_170 : i32 to index
          %get3A_255 = arith.constant 64 : index
          %get3A_256 = tpu.vector_load %arg16[%get3A_254, %get3A_255] {strides = array<i32>} : memref<80x128xf32, #tpu.memory_space<vmem>>, vector<1x16xf32>,
          %get3A_257 = vector.shape_cast %get3A_256 : vector<1x16xf32> to vector<16xf32>
          %add3A_258 = arith.addf %add3A_253, %get3A_257 : vector<16xf32>
          %swap3A_259 = arith.index_cast %scan3A_170 : i32 to index
          %swap3A_260 = arith.constant 64 : index
          %swap3A_261 = tpu.vector_load %arg20[%swap3A_259, %swap3A_260] {strides = array<i32>} : memref<80x128xf32, #tpu.memory_space<vmem>>, vector<1x16xf32>,
          %swap3A_262 = vector.shape_cast %swap3A_261 : vector<1x16xf32> to vector<16xf32>
          %swap3A_263 = vector.shape_cast %add3A_258 : vector<16xf32> to vector<1x16xf32>
          tpu.vector_store %arg20[%swap3A_259, %swap3A_260], %swap3A_263 {strides = array<i32>} : memref<80x128xf32, #tpu.memory_space<vmem>>, vector<1x16xf32>,
          %get3A_264 = arith.index_cast %scan3A_170 : i32 to index
          %get3A_265 = arith.constant 80 : index
          %get3A_266 = tpu.vector_load %arg20[%get3A_264, %get3A_265] {strides = array<i32>} : memref<80x128xf32, #tpu.memory_space<vmem>>, vector<1x16xf32>,
          %get3A_267 = vector.shape_cast %get3A_266 : vector<1x16xf32> to vector<16xf32>
          %get3A_268 = arith.index_cast %scan3A_170 : i32 to index
          %get3A_269 = arith.constant 80 : index
          %get3A_270 = tpu.vector_load %arg12[%get3A_268, %get3A_269] {strides = array<i32>} : memref<80x128xf32, #tpu.memory_space<vmem>>, vector<1x16xf32>,
          %get3A_271 = vector.shape_cast %get3A_270 : vector<1x16xf32> to vector<16xf32>
          %add3A_272 = arith.addf %get3A_267, %get3A_271 : vector<16xf32>
          %get3A_273 = arith.index_cast %scan3A_170 : i32 to index
          %get3A_274 = arith.constant 80 : index
          %get3A_275 = tpu.vector_load %arg16[%get3A_273, %get3A_274] {strides = array<i32>} : memref<80x128xf32, #tpu.memory_space<vmem>>, vector<1x16xf32>,
          %get3A_276 = vector.shape_cast %get3A_275 : vector<1x16xf32> to vector<16xf32>
          %add3A_277 = arith.addf %add3A_272, %get3A_276 : vector<16xf32>
          %swap3A_278 = arith.index_cast %scan3A_170 : i32 to index
          %swap3A_279 = arith.constant 80 : index
          %swap3A_280 = tpu.vector_load %arg20[%swap3A_278, %swap3A_279] {strides = array<i32>} : memref<80x128xf32, #tpu.memory_space<vmem>>, vector<1x16xf32>,
          %swap3A_281 = vector.shape_cast %swap3A_280 : vector<1x16xf32> to vector<16xf32>
          %swap3A_282 = vector.shape_cast %add3A_277 : vector<16xf32> to vector<1x16xf32>
          tpu.vector_store %arg20[%swap3A_278, %swap3A_279], %swap3A_282 {strides = array<i32>} : memref<80x128xf32, #tpu.memory_space<vmem>>, vector<1x16xf32>,
          %get3A_283 = arith.index_cast %scan3A_170 : i32 to index
          %get3A_284 = arith.constant 96 : index
          %get3A_285 = tpu.vector_load %arg20[%get3A_283, %get3A_284] {strides = array<i32>} : memref<80x128xf32, #tpu.memory_space<vmem>>, vector<1x16xf32>,
          %get3A_286 = vector.shape_cast %get3A_285 : vector<1x16xf32> to vector<16xf32>
          %get3A_287 = arith.index_cast %scan3A_170 : i32 to index
          %get3A_288 = arith.constant 96 : index
          %get3A_289 = tpu.vector_load %arg12[%get3A_287, %get3A_288] {strides = array<i32>} : memref<80x128xf32, #tpu.memory_space<vmem>>, vector<1x16xf32>,
          %get3A_290 = vector.shape_cast %get3A_289 : vector<1x16xf32> to vector<16xf32>
          %add3A_291 = arith.addf %get3A_286, %get3A_290 : vector<16xf32>
          %get3A_292 = arith.index_cast %scan3A_170 : i32 to index
          %get3A_293 = arith.constant 96 : index
          %get3A_294 = tpu.vector_load %arg16[%get3A_292, %get3A_293] {strides = array<i32>} : memref<80x128xf32, #tpu.memory_space<vmem>>, vector<1x16xf32>,
          %get3A_295 = vector.shape_cast %get3A_294 : vector<1x16xf32> to vector<16xf32>
          %add3A_296 = arith.addf %add3A_291, %get3A_295 : vector<16xf32>
          %swap3A_297 = arith.index_cast %scan3A_170 : i32 to index
          %swap3A_298 = arith.constant 96 : index
          %swap3A_299 = tpu.vector_load %arg20[%swap3A_297, %swap3A_298] {strides = array<i32>} : memref<80x128xf32, #tpu.memory_space<vmem>>, vector<1x16xf32>,
          %swap3A_300 = vector.shape_cast %swap3A_299 : vector<1x16xf32> to vector<16xf32>
          %swap3A_301 = vector.shape_cast %add3A_296 : vector<16xf32> to vector<1x16xf32>
          tpu.vector_store %arg20[%swap3A_297, %swap3A_298], %swap3A_301 {strides = array<i32>} : memref<80x128xf32, #tpu.memory_space<vmem>>, vector<1x16xf32>,
          %get3A_302 = arith.index_cast %scan3A_170 : i32 to index
          %get3A_303 = arith.constant 112 : index
          %get3A_304 = tpu.vector_load %arg20[%get3A_302, %get3A_303] {strides = array<i32>} : memref<80x128xf32, #tpu.memory_space<vmem>>, vector<1x16xf32>,
          %get3A_305 = vector.shape_cast %get3A_304 : vector<1x16xf32> to vector<16xf32>
          %get3A_306 = arith.index_cast %scan3A_170 : i32 to index
          %get3A_307 = arith.constant 112 : index
          %get3A_308 = tpu.vector_load %arg12[%get3A_306, %get3A_307] {strides = array<i32>} : memref<80x128xf32, #tpu.memory_space<vmem>>, vector<1x16xf32>,
          %get3A_309 = vector.shape_cast %get3A_308 : vector<1x16xf32> to vector<16xf32>
          %add3A_310 = arith.addf %get3A_305, %get3A_309 : vector<16xf32>
          %get3A_311 = arith.index_cast %scan3A_170 : i32 to index
          %get3A_312 = arith.constant 112 : index
          %get3A_313 = tpu.vector_load %arg16[%get3A_311, %get3A_312] {strides = array<i32>} : memref<80x128xf32, #tpu.memory_space<vmem>>, vector<1x16xf32>,
          %get3A_314 = vector.shape_cast %get3A_313 : vector<1x16xf32> to vector<16xf32>
          %add3A_315 = arith.addf %add3A_310, %get3A_314 : vector<16xf32>
          %swap3A_316 = arith.index_cast %scan3A_170 : i32 to index
          %swap3A_317 = arith.constant 112 : index
          %swap3A_318 = tpu.vector_load %arg20[%swap3A_316, %swap3A_317] {strides = array<i32>} : memref<80x128xf32, #tpu.memory_space<vmem>>, vector<1x16xf32>,
          %swap3A_319 = vector.shape_cast %swap3A_318 : vector<1x16xf32> to vector<16xf32>
          %swap3A_320 = vector.shape_cast %add3A_315 : vector<16xf32> to vector<1x16xf32>
          tpu.vector_store %arg20[%swap3A_316, %swap3A_317], %swap3A_320 {strides = array<i32>} : memref<80x128xf32, #tpu.memory_space<vmem>>, vector<1x16xf32>,
        }
        %scan3A_162 = arith.constant 80 : i32
        %mul3A_163 = arith.constant 80 : i32
        %mul3A_164 = arith.muli %add3A_114, %mul3A_163 : i32
        %add3A_165 = arith.addi %multiple_of3A, %mul3A_164 : i32
        %dma_start3A_166 = arith.constant 0 : i32
        %dma_start3A_167 = tpu.memref_slice %arg7[%add3A_165, %dma_start3A_166] : memref<100000x128xf32, #tpu.memory_space<hbm>> -> memref<80x128xf32, #tpu.memory_space<hbm>>
        %dma_start3A_168 = arith.constant 0 : i32
        %dma_start3A_169 = tpu.memref_slice %arg7[%add3A_165, %dma_start3A_168] : memref<100000x128xf32, #tpu.memory_space<hbm>> -> memref<80x128xf32, #tpu.memory_space<hbm>>
        tpu.enqueue_dma source(%arg20 : memref<80x128xf32, #tpu.memory_space<vmem>>) target(%dma_start3A_169 : memref<80x128xf32, #tpu.memory_space<hbm>>) target_semaphore(%arg28 : memref<!tpu.dma_semaphore, #tpu.memory_space<semaphore_mem>>)
      } else {
      }
      %mul3A_127 = arith.constant 4 : i32
      %mul3A_128 = arith.muli %scan3A_79, %mul3A_127 : i32
      %add3A_129 = arith.constant 3 : i32
      %add3A_130 = arith.addi %mul3A_128, %add3A_129 : i32
      %add3A_131 = arith.constant 2 : i32
      %add3A_132 = arith.addi %add3A_130, %add3A_131 : i32
      %lt3A_133 = arith.constant 39 : i32
      %lt3A_134 = arith.cmpi slt, %add3A_132, %lt3A_133 : i32
      %convert_element_type3A_135 = arith.extui %lt3A_134 : i1 to i32
      %cond3A_136 = arith.constant 0 : i32
      %cond3A_137 = arith.cmpi ne, %convert_element_type3A_135, %cond3A_136 : i32
      scf.if %cond3A_137 {
        %ge3A = arith.constant 2 : i32
        %ge3A_143 = arith.cmpi sge, %add3A_130, %ge3A : i32
        %convert_element_type3A_144 = arith.extui %ge3A_143 : i1 to i32
        %cond3A_145 = arith.constant 0 : i32
        %cond3A_146 = arith.cmpi ne, %convert_element_type3A_144, %cond3A_145 : i32
        scf.if %cond3A_146 {
          %dma_wait3A_168 = arith.constant 0 : i32
          %dma_wait3A_169 = tpu.memref_slice %arg7[%multiple_of3A, %dma_wait3A_168] : memref<100000x128xf32, #tpu.memory_space<hbm>> -> memref<80x128xf32, #tpu.memory_space<hbm>>
          %dma_wait3A_170 = arith.constant 0 : i32
          %dma_wait3A_171 = tpu.memref_slice %arg7[%multiple_of3A, %dma_wait3A_170] : memref<100000x128xf32, #tpu.memory_space<hbm>> -> memref<80x128xf32, #tpu.memory_space<hbm>>
          tpu.wait_dma2 semaphore(%arg27 : memref<!tpu.dma_semaphore, #tpu.memory_space<semaphore_mem>>) src(%arg19 : memref<80x128xf32, #tpu.memory_space<vmem>>) dst(%dma_wait3A_171 : memref<80x128xf32, #tpu.memory_space<hbm>>)
        } else {
        }
        %add3A_147 = arith.constant 2 : i32
        %add3A_148 = arith.addi %add3A_130, %add3A_147 : i32
        %mul3A_149 = arith.constant 80 : i32
        %mul3A_150 = arith.muli %add3A_148, %mul3A_149 : i32
        %dma_start3A_151 = tpu.memref_slice %arg8[%mul3A_150] : memref<3128xi32, #tpu.memory_space<vmem>> -> memref<80xi32, #tpu.memory_space<vmem>>
        %dma_start3A_152 = arith.constant 0 : i32
        %dma_start3A_153 = arith.constant 0 : i32
        %dma_start3A_154 = tpu.memref_slice %arg5[%dma_start3A_152, %dma_start3A_153] : memref<513x128xf32, #tpu.memory_space<hbm>> -> memref<513x128xf32, #tpu.memory_space<hbm>>
        tpu.enqueue_indirect_dma source(%dma_start3A_154 : memref<513x128xf32, #tpu.memory_space<hbm>>) target(%arg11 : memref<80x128xf32, #tpu.memory_space<vmem>>) offsets(%dma_start3A_151 : memref<80xi32, #tpu.memory_space<vmem>>) semaphore(%arg23 : memref<!tpu.dma_semaphore, #tpu.memory_space<semaphore_mem>>)
        %mul3A_155 = arith.constant 80 : i32
        %mul3A_156 = arith.muli %add3A_148, %mul3A_155 : i32
        %dma_start3A_157 = tpu.memref_slice %arg9[%mul3A_156] : memref<3128xi32, #tpu.memory_space<vmem>> -> memref<80xi32, #tpu.memory_space<vmem>>
        %dma_start3A_158 = arith.constant 0 : i32
        %dma_start3A_159 = arith.constant 0 : i32
        %dma_start3A_160 = tpu.memref_slice %arg6[%dma_start3A_158, %dma_start3A_159] : memref<513x128xf32, #tpu.memory_space<hbm>> -> memref<513x128xf32, #tpu.memory_space<hbm>>
        tpu.enqueue_indirect_dma source(%dma_start3A_160 : memref<513x128xf32, #tpu.memory_space<hbm>>) target(%arg15 : memref<80x128xf32, #tpu.memory_space<vmem>>) offsets(%dma_start3A_157 : memref<80xi32, #tpu.memory_space<vmem>>) semaphore(%arg23 : memref<!tpu.dma_semaphore, #tpu.memory_space<semaphore_mem>>)
        %mul3A_161 = arith.constant 80 : i32
        %mul3A_162 = arith.muli %add3A_148, %mul3A_161 : i32
        %add3A_163 = arith.addi %multiple_of3A, %mul3A_162 : i32
        %dma_start3A_164 = arith.constant 0 : i32
        %dma_start3A_165 = tpu.memref_slice %arg2[%add3A_163, %dma_start3A_164] : memref<100000x128xf32, #tpu.memory_space<hbm>> -> memref<80x128xf32, #tpu.memory_space<hbm>>
        %dma_start3A_166 = arith.constant 0 : i32
        %dma_start3A_167 = tpu.memref_slice %arg2[%add3A_163, %dma_start3A_166] : memref<100000x128xf32, #tpu.memory_space<hbm>> -> memref<80x128xf32, #tpu.memory_space<hbm>>
        tpu.enqueue_dma source(%dma_start3A_167 : memref<80x128xf32, #tpu.memory_space<hbm>>) target(%arg19 : memref<80x128xf32, #tpu.memory_space<vmem>>) target_semaphore(%arg23 : memref<!tpu.dma_semaphore, #tpu.memory_space<semaphore_mem>>)
      } else {
      }
      %lt3A_138 = arith.constant 39 : i32
      %lt3A_139 = arith.cmpi slt, %add3A_130, %lt3A_138 : i32
      %convert_element_type3A_140 = arith.extui %lt3A_139 : i1 to i32
      %cond3A_141 = arith.constant 0 : i32
      %cond3A_142 = arith.cmpi ne, %convert_element_type3A_140, %cond3A_141 : i32
      scf.if %cond3A_142 {
        %dma_wait3A_143 = arith.constant 0 : i32
        %dma_wait3A_144 = tpu.memref_slice %arg8[%dma_wait3A_143] : memref<3128xi32, #tpu.memory_space<vmem>> -> memref<80xi32, #tpu.memory_space<vmem>>
        %dma_wait3A_145 = arith.constant 0 : i32
        %dma_wait3A_146 = arith.constant 0 : i32
        %dma_wait3A_147 = tpu.memref_slice %arg5[%dma_wait3A_145, %dma_wait3A_146] : memref<513x128xf32, #tpu.memory_space<hbm>> -> memref<513x128xf32, #tpu.memory_space<hbm>>
        tpu.wait_indirect_dma semaphore(%arg25 : memref<!tpu.dma_semaphore, #tpu.memory_space<semaphore_mem>>) src(%dma_wait3A_147 : memref<513x128xf32, #tpu.memory_space<hbm>>) dst(%arg13 : memref<80x128xf32, #tpu.memory_space<vmem>>)
        %dma_wait3A_148 = arith.constant 0 : i32
        %dma_wait3A_149 = tpu.memref_slice %arg9[%dma_wait3A_148] : memref<3128xi32, #tpu.memory_space<vmem>> -> memref<80xi32, #tpu.memory_space<vmem>>
        %dma_wait3A_150 = arith.constant 0 : i32
        %dma_wait3A_151 = arith.constant 0 : i32
        %dma_wait3A_152 = tpu.memref_slice %arg6[%dma_wait3A_150, %dma_wait3A_151] : memref<513x128xf32, #tpu.memory_space<hbm>> -> memref<513x128xf32, #tpu.memory_space<hbm>>
        tpu.wait_indirect_dma semaphore(%arg25 : memref<!tpu.dma_semaphore, #tpu.memory_space<semaphore_mem>>) src(%dma_wait3A_152 : memref<513x128xf32, #tpu.memory_space<hbm>>) dst(%arg17 : memref<80x128xf32, #tpu.memory_space<vmem>>)
        %dma_wait3A_153 = arith.constant 0 : i32
        %dma_wait3A_154 = tpu.memref_slice %arg2[%multiple_of3A, %dma_wait3A_153] : memref<100000x128xf32, #tpu.memory_space<hbm>> -> memref<80x128xf32, #tpu.memory_space<hbm>>
        %dma_wait3A_155 = arith.constant 0 : i32
        %dma_wait3A_156 = tpu.memref_slice %arg2[%multiple_of3A, %dma_wait3A_155] : memref<100000x128xf32, #tpu.memory_space<hbm>> -> memref<80x128xf32, #tpu.memory_space<hbm>>
        tpu.wait_dma2 semaphore(%arg25 : memref<!tpu.dma_semaphore, #tpu.memory_space<semaphore_mem>>) src(%dma_wait3A_156 : memref<80x128xf32, #tpu.memory_space<hbm>>) dst(%arg21 : memref<80x128xf32, #tpu.memory_space<vmem>>)
        %scan3A_157 = arith.constant 0 : i32
        %scan3A_158 = arith.constant 0 : i32
        %scan3A_159 = arith.constant 80 : i32
        %scan3A_160 = arith.addi %scan3A_158, %scan3A_159 : i32
        %scan3A_161 = arith.constant 1 : i32
        scf.for %scan3A_170 = %scan3A_158 to %scan3A_160 step %scan3A_161  : i32 {
          %get3A = arith.index_cast %scan3A_170 : i32 to index
          %get3A_171 = arith.constant 0 : index
          %get3A_172 = tpu.vector_load %arg21[%get3A, %get3A_171] {strides = array<i32>} : memref<80x128xf32, #tpu.memory_space<vmem>>, vector<1x16xf32>,
          %get3A_173 = vector.shape_cast %get3A_172 : vector<1x16xf32> to vector<16xf32>
          %get3A_174 = arith.index_cast %scan3A_170 : i32 to index
          %get3A_175 = arith.constant 0 : index
          %get3A_176 = tpu.vector_load %arg13[%get3A_174, %get3A_175] {strides = array<i32>} : memref<80x128xf32, #tpu.memory_space<vmem>>, vector<1x16xf32>,
          %get3A_177 = vector.shape_cast %get3A_176 : vector<1x16xf32> to vector<16xf32>
          %add3A_178 = arith.addf %get3A_173, %get3A_177 : vector<16xf32>
          %get3A_179 = arith.index_cast %scan3A_170 : i32 to index
          %get3A_180 = arith.constant 0 : index
          %get3A_181 = tpu.vector_load %arg17[%get3A_179, %get3A_180] {strides = array<i32>} : memref<80x128xf32, #tpu.memory_space<vmem>>, vector<1x16xf32>,
          %get3A_182 = vector.shape_cast %get3A_181 : vector<1x16xf32> to vector<16xf32>
          %add3A_183 = arith.addf %add3A_178, %get3A_182 : vector<16xf32>
          %swap3A = arith.index_cast %scan3A_170 : i32 to index
          %swap3A_184 = arith.constant 0 : index
          %swap3A_185 = tpu.vector_load %arg21[%swap3A, %swap3A_184] {strides = array<i32>} : memref<80x128xf32, #tpu.memory_space<vmem>>, vector<1x16xf32>,
          %swap3A_186 = vector.shape_cast %swap3A_185 : vector<1x16xf32> to vector<16xf32>
          %swap3A_187 = vector.shape_cast %add3A_183 : vector<16xf32> to vector<1x16xf32>
          tpu.vector_store %arg21[%swap3A, %swap3A_184], %swap3A_187 {strides = array<i32>} : memref<80x128xf32, #tpu.memory_space<vmem>>, vector<1x16xf32>,
          %get3A_188 = arith.index_cast %scan3A_170 : i32 to index
          %get3A_189 = arith.constant 16 : index
          %get3A_190 = tpu.vector_load %arg21[%get3A_188, %get3A_189] {strides = array<i32>} : memref<80x128xf32, #tpu.memory_space<vmem>>, vector<1x16xf32>,
          %get3A_191 = vector.shape_cast %get3A_190 : vector<1x16xf32> to vector<16xf32>
          %get3A_192 = arith.index_cast %scan3A_170 : i32 to index
          %get3A_193 = arith.constant 16 : index
          %get3A_194 = tpu.vector_load %arg13[%get3A_192, %get3A_193] {strides = array<i32>} : memref<80x128xf32, #tpu.memory_space<vmem>>, vector<1x16xf32>,
          %get3A_195 = vector.shape_cast %get3A_194 : vector<1x16xf32> to vector<16xf32>
          %add3A_196 = arith.addf %get3A_191, %get3A_195 : vector<16xf32>
          %get3A_197 = arith.index_cast %scan3A_170 : i32 to index
          %get3A_198 = arith.constant 16 : index
          %get3A_199 = tpu.vector_load %arg17[%get3A_197, %get3A_198] {strides = array<i32>} : memref<80x128xf32, #tpu.memory_space<vmem>>, vector<1x16xf32>,
          %get3A_200 = vector.shape_cast %get3A_199 : vector<1x16xf32> to vector<16xf32>
          %add3A_201 = arith.addf %add3A_196, %get3A_200 : vector<16xf32>
          %swap3A_202 = arith.index_cast %scan3A_170 : i32 to index
          %swap3A_203 = arith.constant 16 : index
          %swap3A_204 = tpu.vector_load %arg21[%swap3A_202, %swap3A_203] {strides = array<i32>} : memref<80x128xf32, #tpu.memory_space<vmem>>, vector<1x16xf32>,
          %swap3A_205 = vector.shape_cast %swap3A_204 : vector<1x16xf32> to vector<16xf32>
          %swap3A_206 = vector.shape_cast %add3A_201 : vector<16xf32> to vector<1x16xf32>
          tpu.vector_store %arg21[%swap3A_202, %swap3A_203], %swap3A_206 {strides = array<i32>} : memref<80x128xf32, #tpu.memory_space<vmem>>, vector<1x16xf32>,
          %get3A_207 = arith.index_cast %scan3A_170 : i32 to index
          %get3A_208 = arith.constant 32 : index
          %get3A_209 = tpu.vector_load %arg21[%get3A_207, %get3A_208] {strides = array<i32>} : memref<80x128xf32, #tpu.memory_space<vmem>>, vector<1x16xf32>,
          %get3A_210 = vector.shape_cast %get3A_209 : vector<1x16xf32> to vector<16xf32>
          %get3A_211 = arith.index_cast %scan3A_170 : i32 to index
          %get3A_212 = arith.constant 32 : index
          %get3A_213 = tpu.vector_load %arg13[%get3A_211, %get3A_212] {strides = array<i32>} : memref<80x128xf32, #tpu.memory_space<vmem>>, vector<1x16xf32>,
          %get3A_214 = vector.shape_cast %get3A_213 : vector<1x16xf32> to vector<16xf32>
          %add3A_215 = arith.addf %get3A_210, %get3A_214 : vector<16xf32>
          %get3A_216 = arith.index_cast %scan3A_170 : i32 to index
          %get3A_217 = arith.constant 32 : index
          %get3A_218 = tpu.vector_load %arg17[%get3A_216, %get3A_217] {strides = array<i32>} : memref<80x128xf32, #tpu.memory_space<vmem>>, vector<1x16xf32>,
          %get3A_219 = vector.shape_cast %get3A_218 : vector<1x16xf32> to vector<16xf32>
          %add3A_220 = arith.addf %add3A_215, %get3A_219 : vector<16xf32>
          %swap3A_221 = arith.index_cast %scan3A_170 : i32 to index
          %swap3A_222 = arith.constant 32 : index
          %swap3A_223 = tpu.vector_load %arg21[%swap3A_221, %swap3A_222] {strides = array<i32>} : memref<80x128xf32, #tpu.memory_space<vmem>>, vector<1x16xf32>,
          %swap3A_224 = vector.shape_cast %swap3A_223 : vector<1x16xf32> to vector<16xf32>
          %swap3A_225 = vector.shape_cast %add3A_220 : vector<16xf32> to vector<1x16xf32>
          tpu.vector_store %arg21[%swap3A_221, %swap3A_222], %swap3A_225 {strides = array<i32>} : memref<80x128xf32, #tpu.memory_space<vmem>>, vector<1x16xf32>,
          %get3A_226 = arith.index_cast %scan3A_170 : i32 to index
          %get3A_227 = arith.constant 48 : index
          %get3A_228 = tpu.vector_load %arg21[%get3A_226, %get3A_227] {strides = array<i32>} : memref<80x128xf32, #tpu.memory_space<vmem>>, vector<1x16xf32>,
          %get3A_229 = vector.shape_cast %get3A_228 : vector<1x16xf32> to vector<16xf32>
          %get3A_230 = arith.index_cast %scan3A_170 : i32 to index
          %get3A_231 = arith.constant 48 : index
          %get3A_232 = tpu.vector_load %arg13[%get3A_230, %get3A_231] {strides = array<i32>} : memref<80x128xf32, #tpu.memory_space<vmem>>, vector<1x16xf32>,
          %get3A_233 = vector.shape_cast %get3A_232 : vector<1x16xf32> to vector<16xf32>
          %add3A_234 = arith.addf %get3A_229, %get3A_233 : vector<16xf32>
          %get3A_235 = arith.index_cast %scan3A_170 : i32 to index
          %get3A_236 = arith.constant 48 : index
          %get3A_237 = tpu.vector_load %arg17[%get3A_235, %get3A_236] {strides = array<i32>} : memref<80x128xf32, #tpu.memory_space<vmem>>, vector<1x16xf32>,
          %get3A_238 = vector.shape_cast %get3A_237 : vector<1x16xf32> to vector<16xf32>
          %add3A_239 = arith.addf %add3A_234, %get3A_238 : vector<16xf32>
          %swap3A_240 = arith.index_cast %scan3A_170 : i32 to index
          %swap3A_241 = arith.constant 48 : index
          %swap3A_242 = tpu.vector_load %arg21[%swap3A_240, %swap3A_241] {strides = array<i32>} : memref<80x128xf32, #tpu.memory_space<vmem>>, vector<1x16xf32>,
          %swap3A_243 = vector.shape_cast %swap3A_242 : vector<1x16xf32> to vector<16xf32>
          %swap3A_244 = vector.shape_cast %add3A_239 : vector<16xf32> to vector<1x16xf32>
          tpu.vector_store %arg21[%swap3A_240, %swap3A_241], %swap3A_244 {strides = array<i32>} : memref<80x128xf32, #tpu.memory_space<vmem>>, vector<1x16xf32>,
          %get3A_245 = arith.index_cast %scan3A_170 : i32 to index
          %get3A_246 = arith.constant 64 : index
          %get3A_247 = tpu.vector_load %arg21[%get3A_245, %get3A_246] {strides = array<i32>} : memref<80x128xf32, #tpu.memory_space<vmem>>, vector<1x16xf32>,
          %get3A_248 = vector.shape_cast %get3A_247 : vector<1x16xf32> to vector<16xf32>
          %get3A_249 = arith.index_cast %scan3A_170 : i32 to index
          %get3A_250 = arith.constant 64 : index
          %get3A_251 = tpu.vector_load %arg13[%get3A_249, %get3A_250] {strides = array<i32>} : memref<80x128xf32, #tpu.memory_space<vmem>>, vector<1x16xf32>,
          %get3A_252 = vector.shape_cast %get3A_251 : vector<1x16xf32> to vector<16xf32>
          %add3A_253 = arith.addf %get3A_248, %get3A_252 : vector<16xf32>
          %get3A_254 = arith.index_cast %scan3A_170 : i32 to index
          %get3A_255 = arith.constant 64 : index
          %get3A_256 = tpu.vector_load %arg17[%get3A_254, %get3A_255] {strides = array<i32>} : memref<80x128xf32, #tpu.memory_space<vmem>>, vector<1x16xf32>,
          %get3A_257 = vector.shape_cast %get3A_256 : vector<1x16xf32> to vector<16xf32>
          %add3A_258 = arith.addf %add3A_253, %get3A_257 : vector<16xf32>
          %swap3A_259 = arith.index_cast %scan3A_170 : i32 to index
          %swap3A_260 = arith.constant 64 : index
          %swap3A_261 = tpu.vector_load %arg21[%swap3A_259, %swap3A_260] {strides = array<i32>} : memref<80x128xf32, #tpu.memory_space<vmem>>, vector<1x16xf32>,
          %swap3A_262 = vector.shape_cast %swap3A_261 : vector<1x16xf32> to vector<16xf32>
          %swap3A_263 = vector.shape_cast %add3A_258 : vector<16xf32> to vector<1x16xf32>
          tpu.vector_store %arg21[%swap3A_259, %swap3A_260], %swap3A_263 {strides = array<i32>} : memref<80x128xf32, #tpu.memory_space<vmem>>, vector<1x16xf32>,
          %get3A_264 = arith.index_cast %scan3A_170 : i32 to index
          %get3A_265 = arith.constant 80 : index
          %get3A_266 = tpu.vector_load %arg21[%get3A_264, %get3A_265] {strides = array<i32>} : memref<80x128xf32, #tpu.memory_space<vmem>>, vector<1x16xf32>,
          %get3A_267 = vector.shape_cast %get3A_266 : vector<1x16xf32> to vector<16xf32>
          %get3A_268 = arith.index_cast %scan3A_170 : i32 to index
          %get3A_269 = arith.constant 80 : index
          %get3A_270 = tpu.vector_load %arg13[%get3A_268, %get3A_269] {strides = array<i32>} : memref<80x128xf32, #tpu.memory_space<vmem>>, vector<1x16xf32>,
          %get3A_271 = vector.shape_cast %get3A_270 : vector<1x16xf32> to vector<16xf32>
          %add3A_272 = arith.addf %get3A_267, %get3A_271 : vector<16xf32>
          %get3A_273 = arith.index_cast %scan3A_170 : i32 to index
          %get3A_274 = arith.constant 80 : index
          %get3A_275 = tpu.vector_load %arg17[%get3A_273, %get3A_274] {strides = array<i32>} : memref<80x128xf32, #tpu.memory_space<vmem>>, vector<1x16xf32>,
          %get3A_276 = vector.shape_cast %get3A_275 : vector<1x16xf32> to vector<16xf32>
          %add3A_277 = arith.addf %add3A_272, %get3A_276 : vector<16xf32>
          %swap3A_278 = arith.index_cast %scan3A_170 : i32 to index
          %swap3A_279 = arith.constant 80 : index
          %swap3A_280 = tpu.vector_load %arg21[%swap3A_278, %swap3A_279] {strides = array<i32>} : memref<80x128xf32, #tpu.memory_space<vmem>>, vector<1x16xf32>,
          %swap3A_281 = vector.shape_cast %swap3A_280 : vector<1x16xf32> to vector<16xf32>
          %swap3A_282 = vector.shape_cast %add3A_277 : vector<16xf32> to vector<1x16xf32>
          tpu.vector_store %arg21[%swap3A_278, %swap3A_279], %swap3A_282 {strides = array<i32>} : memref<80x128xf32, #tpu.memory_space<vmem>>, vector<1x16xf32>,
          %get3A_283 = arith.index_cast %scan3A_170 : i32 to index
          %get3A_284 = arith.constant 96 : index
          %get3A_285 = tpu.vector_load %arg21[%get3A_283, %get3A_284] {strides = array<i32>} : memref<80x128xf32, #tpu.memory_space<vmem>>, vector<1x16xf32>,
          %get3A_286 = vector.shape_cast %get3A_285 : vector<1x16xf32> to vector<16xf32>
          %get3A_287 = arith.index_cast %scan3A_170 : i32 to index
          %get3A_288 = arith.constant 96 : index
          %get3A_289 = tpu.vector_load %arg13[%get3A_287, %get3A_288] {strides = array<i32>} : memref<80x128xf32, #tpu.memory_space<vmem>>, vector<1x16xf32>,
          %get3A_290 = vector.shape_cast %get3A_289 : vector<1x16xf32> to vector<16xf32>
          %add3A_291 = arith.addf %get3A_286, %get3A_290 : vector<16xf32>
          %get3A_292 = arith.index_cast %scan3A_170 : i32 to index
          %get3A_293 = arith.constant 96 : index
          %get3A_294 = tpu.vector_load %arg17[%get3A_292, %get3A_293] {strides = array<i32>} : memref<80x128xf32, #tpu.memory_space<vmem>>, vector<1x16xf32>,
          %get3A_295 = vector.shape_cast %get3A_294 : vector<1x16xf32> to vector<16xf32>
          %add3A_296 = arith.addf %add3A_291, %get3A_295 : vector<16xf32>
          %swap3A_297 = arith.index_cast %scan3A_170 : i32 to index
          %swap3A_298 = arith.constant 96 : index
          %swap3A_299 = tpu.vector_load %arg21[%swap3A_297, %swap3A_298] {strides = array<i32>} : memref<80x128xf32, #tpu.memory_space<vmem>>, vector<1x16xf32>,
          %swap3A_300 = vector.shape_cast %swap3A_299 : vector<1x16xf32> to vector<16xf32>
          %swap3A_301 = vector.shape_cast %add3A_296 : vector<16xf32> to vector<1x16xf32>
          tpu.vector_store %arg21[%swap3A_297, %swap3A_298], %swap3A_301 {strides = array<i32>} : memref<80x128xf32, #tpu.memory_space<vmem>>, vector<1x16xf32>,
          %get3A_302 = arith.index_cast %scan3A_170 : i32 to index
          %get3A_303 = arith.constant 112 : index
          %get3A_304 = tpu.vector_load %arg21[%get3A_302, %get3A_303] {strides = array<i32>} : memref<80x128xf32, #tpu.memory_space<vmem>>, vector<1x16xf32>,
          %get3A_305 = vector.shape_cast %get3A_304 : vector<1x16xf32> to vector<16xf32>
          %get3A_306 = arith.index_cast %scan3A_170 : i32 to index
          %get3A_307 = arith.constant 112 : index
          %get3A_308 = tpu.vector_load %arg13[%get3A_306, %get3A_307] {strides = array<i32>} : memref<80x128xf32, #tpu.memory_space<vmem>>, vector<1x16xf32>,
          %get3A_309 = vector.shape_cast %get3A_308 : vector<1x16xf32> to vector<16xf32>
          %add3A_310 = arith.addf %get3A_305, %get3A_309 : vector<16xf32>
          %get3A_311 = arith.index_cast %scan3A_170 : i32 to index
          %get3A_312 = arith.constant 112 : index
          %get3A_313 = tpu.vector_load %arg17[%get3A_311, %get3A_312] {strides = array<i32>} : memref<80x128xf32, #tpu.memory_space<vmem>>, vector<1x16xf32>,
          %get3A_314 = vector.shape_cast %get3A_313 : vector<1x16xf32> to vector<16xf32>
          %add3A_315 = arith.addf %add3A_310, %get3A_314 : vector<16xf32>
          %swap3A_316 = arith.index_cast %scan3A_170 : i32 to index
          %swap3A_317 = arith.constant 112 : index
          %swap3A_318 = tpu.vector_load %arg21[%swap3A_316, %swap3A_317] {strides = array<i32>} : memref<80x128xf32, #tpu.memory_space<vmem>>, vector<1x16xf32>,
          %swap3A_319 = vector.shape_cast %swap3A_318 : vector<1x16xf32> to vector<16xf32>
          %swap3A_320 = vector.shape_cast %add3A_315 : vector<16xf32> to vector<1x16xf32>
          tpu.vector_store %arg21[%swap3A_316, %swap3A_317], %swap3A_320 {strides = array<i32>} : memref<80x128xf32, #tpu.memory_space<vmem>>, vector<1x16xf32>,
        }
        %scan3A_162 = arith.constant 80 : i32
        %mul3A_163 = arith.constant 80 : i32
        %mul3A_164 = arith.muli %add3A_130, %mul3A_163 : i32
        %add3A_165 = arith.addi %multiple_of3A, %mul3A_164 : i32
        %dma_start3A_166 = arith.constant 0 : i32
        %dma_start3A_167 = tpu.memref_slice %arg7[%add3A_165, %dma_start3A_166] : memref<100000x128xf32, #tpu.memory_space<hbm>> -> memref<80x128xf32, #tpu.memory_space<hbm>>
        %dma_start3A_168 = arith.constant 0 : i32
        %dma_start3A_169 = tpu.memref_slice %arg7[%add3A_165, %dma_start3A_168] : memref<100000x128xf32, #tpu.memory_space<hbm>> -> memref<80x128xf32, #tpu.memory_space<hbm>>
        tpu.enqueue_dma source(%arg21 : memref<80x128xf32, #tpu.memory_space<vmem>>) target(%dma_start3A_169 : memref<80x128xf32, #tpu.memory_space<hbm>>) target_semaphore(%arg29 : memref<!tpu.dma_semaphore, #tpu.memory_space<semaphore_mem>>)
      } else {
      }
    }
    %scan3A_60 = arith.constant 10 : i32
    %dma_wait3A_61 = arith.constant 0 : i32
    %dma_wait3A_62 = tpu.memref_slice %arg7[%multiple_of3A, %dma_wait3A_61] : memref<100000x128xf32, #tpu.memory_space<hbm>> -> memref<80x128xf32, #tpu.memory_space<hbm>>
    %dma_wait3A_63 = arith.constant 0 : i32
    %dma_wait3A_64 = tpu.memref_slice %arg7[%multiple_of3A, %dma_wait3A_63] : memref<100000x128xf32, #tpu.memory_space<hbm>> -> memref<80x128xf32, #tpu.memory_space<hbm>>
    tpu.wait_dma2 semaphore(%arg26 : memref<!tpu.dma_semaphore, #tpu.memory_space<semaphore_mem>>) src(%arg18 : memref<80x128xf32, #tpu.memory_space<vmem>>) dst(%dma_wait3A_64 : memref<80x128xf32, #tpu.memory_space<hbm>>)
    %dma_wait3A_65 = arith.constant 0 : i32
    %dma_wait3A_66 = tpu.memref_slice %arg7[%multiple_of3A, %dma_wait3A_65] : memref<100000x128xf32, #tpu.memory_space<hbm>> -> memref<80x128xf32, #tpu.memory_space<hbm>>
    %dma_wait3A_67 = arith.constant 0 : i32
    %dma_wait3A_68 = tpu.memref_slice %arg7[%multiple_of3A, %dma_wait3A_67] : memref<100000x128xf32, #tpu.memory_space<hbm>> -> memref<80x128xf32, #tpu.memory_space<hbm>>
    tpu.wait_dma2 semaphore(%arg27 : memref<!tpu.dma_semaphore, #tpu.memory_space<semaphore_mem>>) src(%arg19 : memref<80x128xf32, #tpu.memory_space<vmem>>) dst(%dma_wait3A_68 : memref<80x128xf32, #tpu.memory_space<hbm>>)
    %dma_wait3A_69 = arith.constant 0 : i32
    %dma_wait3A_70 = tpu.memref_slice %arg7[%multiple_of3A, %dma_wait3A_69] : memref<100000x128xf32, #tpu.memory_space<hbm>> -> memref<80x128xf32, #tpu.memory_space<hbm>>
    %dma_wait3A_71 = arith.constant 0 : i32
    %dma_wait3A_72 = tpu.memref_slice %arg7[%multiple_of3A, %dma_wait3A_71] : memref<100000x128xf32, #tpu.memory_space<hbm>> -> memref<80x128xf32, #tpu.memory_space<hbm>>
    tpu.wait_dma2 semaphore(%arg28 : memref<!tpu.dma_semaphore, #tpu.memory_space<semaphore_mem>>) src(%arg20 : memref<80x128xf32, #tpu.memory_space<vmem>>) dst(%dma_wait3A_72 : memref<80x128xf32, #tpu.memory_space<hbm>>)
    %dma_wait3A_73 = arith.constant 0 : i32
    %dma_wait3A_74 = tpu.memref_slice %arg7[%multiple_of3A, %dma_wait3A_73] : memref<100000x128xf32, #tpu.memory_space<hbm>> -> memref<80x128xf32, #tpu.memory_space<hbm>>
    %dma_wait3A_75 = arith.constant 0 : i32
    %dma_wait3A_76 = tpu.memref_slice %arg7[%multiple_of3A, %dma_wait3A_75] : memref<100000x128xf32, #tpu.memory_space<hbm>> -> memref<80x128xf32, #tpu.memory_space<hbm>>
    tpu.wait_dma2 semaphore(%arg29 : memref<!tpu.dma_semaphore, #tpu.memory_space<semaphore_mem>>) src(%arg21 : memref<80x128xf32, #tpu.memory_space<vmem>>) dst(%dma_wait3A_76 : memref<80x128xf32, #tpu.memory_space<hbm>>)
    %eq3A = arith.constant 3128 : i32
    %eq3A_77 = arith.cmpi eq, %sub3A, %eq3A : i32
    %convert_element_type3A = arith.extui %eq3A_77 : i1 to i32
    %cond3A = arith.constant 0 : i32
    %cond3A_78 = arith.cmpi ne, %convert_element_type3A, %cond3A : i32
    scf.if %cond3A_78 {
      %dma_start3A_79 = arith.constant 0 : i32
      %dma_start3A_80 = arith.constant 0 : i32
      %dma_start3A_81 = tpu.memref_slice %arg10[%dma_start3A_79, %dma_start3A_80] : memref<80x128xf32, #tpu.memory_space<vmem>> -> memref<8x128xf32, #tpu.memory_space<vmem>>
      %dma_start3A_82 = arith.constant 3120 : i32
      %dma_start3A_83 = tpu.memref_slice %arg8[%dma_start3A_82] : memref<3128xi32, #tpu.memory_space<vmem>> -> memref<8xi32, #tpu.memory_space<vmem>>
      %dma_start3A_84 = arith.constant 0 : i32
      %dma_start3A_85 = arith.constant 0 : i32
      %dma_start3A_86 = tpu.memref_slice %arg5[%dma_start3A_84, %dma_start3A_85] : memref<513x128xf32, #tpu.memory_space<hbm>> -> memref<513x128xf32, #tpu.memory_space<hbm>>
      tpu.enqueue_indirect_dma source(%dma_start3A_86 : memref<513x128xf32, #tpu.memory_space<hbm>>) target(%dma_start3A_81 : memref<8x128xf32, #tpu.memory_space<vmem>>) offsets(%dma_start3A_83 : memref<8xi32, #tpu.memory_space<vmem>>) semaphore(%arg22 : memref<!tpu.dma_semaphore, #tpu.memory_space<semaphore_mem>>)
      %dma_start3A_87 = arith.constant 0 : i32
      %dma_start3A_88 = arith.constant 0 : i32
      %dma_start3A_89 = tpu.memref_slice %arg14[%dma_start3A_87, %dma_start3A_88] : memref<80x128xf32, #tpu.memory_space<vmem>> -> memref<8x128xf32, #tpu.memory_space<vmem>>
      %dma_start3A_90 = arith.constant 3120 : i32
      %dma_start3A_91 = tpu.memref_slice %arg9[%dma_start3A_90] : memref<3128xi32, #tpu.memory_space<vmem>> -> memref<8xi32, #tpu.memory_space<vmem>>
      %dma_start3A_92 = arith.constant 0 : i32
      %dma_start3A_93 = arith.constant 0 : i32
      %dma_start3A_94 = tpu.memref_slice %arg6[%dma_start3A_92, %dma_start3A_93] : memref<513x128xf32, #tpu.memory_space<hbm>> -> memref<513x128xf32, #tpu.memory_space<hbm>>
      tpu.enqueue_indirect_dma source(%dma_start3A_94 : memref<513x128xf32, #tpu.memory_space<hbm>>) target(%dma_start3A_89 : memref<8x128xf32, #tpu.memory_space<vmem>>) offsets(%dma_start3A_91 : memref<8xi32, #tpu.memory_space<vmem>>) semaphore(%arg22 : memref<!tpu.dma_semaphore, #tpu.memory_space<semaphore_mem>>)
      %add3A_95 = arith.constant 3120 : i32
      %add3A_96 = arith.addi %multiple_of3A, %add3A_95 : i32
      %dma_start3A_97 = arith.constant 0 : i32
      %dma_start3A_98 = arith.constant 0 : i32
      %dma_start3A_99 = tpu.memref_slice %arg18[%dma_start3A_97, %dma_start3A_98] : memref<80x128xf32, #tpu.memory_space<vmem>> -> memref<8x128xf32, #tpu.memory_space<vmem>>
      %dma_start3A_100 = arith.constant 0 : i32
      %dma_start3A_101 = tpu.memref_slice %arg2[%add3A_96, %dma_start3A_100] : memref<100000x128xf32, #tpu.memory_space<hbm>> -> memref<8x128xf32, #tpu.memory_space<hbm>>
      %dma_start3A_102 = arith.constant 0 : i32
      %dma_start3A_103 = arith.constant 0 : i32
      %dma_start3A_104 = tpu.memref_slice %arg18[%dma_start3A_102, %dma_start3A_103] : memref<80x128xf32, #tpu.memory_space<vmem>> -> memref<8x128xf32, #tpu.memory_space<vmem>>
      %dma_start3A_105 = arith.constant 0 : i32
      %dma_start3A_106 = tpu.memref_slice %arg2[%add3A_96, %dma_start3A_105] : memref<100000x128xf32, #tpu.memory_space<hbm>> -> memref<8x128xf32, #tpu.memory_space<hbm>>
      tpu.enqueue_dma source(%dma_start3A_106 : memref<8x128xf32, #tpu.memory_space<hbm>>) target(%dma_start3A_104 : memref<8x128xf32, #tpu.memory_space<vmem>>) target_semaphore(%arg22 : memref<!tpu.dma_semaphore, #tpu.memory_space<semaphore_mem>>)
      %dma_wait3A_107 = arith.constant 0 : i32
      %dma_wait3A_108 = arith.constant 0 : i32
      %dma_wait3A_109 = tpu.memref_slice %arg10[%dma_wait3A_107, %dma_wait3A_108] : memref<80x128xf32, #tpu.memory_space<vmem>> -> memref<8x128xf32, #tpu.memory_space<vmem>>
      %dma_wait3A_110 = arith.constant 0 : i32
      %dma_wait3A_111 = tpu.memref_slice %arg8[%dma_wait3A_110] : memref<3128xi32, #tpu.memory_space<vmem>> -> memref<8xi32, #tpu.memory_space<vmem>>
      %dma_wait3A_112 = arith.constant 0 : i32
      %dma_wait3A_113 = arith.constant 0 : i32
      %dma_wait3A_114 = tpu.memref_slice %arg5[%dma_wait3A_112, %dma_wait3A_113] : memref<513x128xf32, #tpu.memory_space<hbm>> -> memref<513x128xf32, #tpu.memory_space<hbm>>
      tpu.wait_indirect_dma semaphore(%arg22 : memref<!tpu.dma_semaphore, #tpu.memory_space<semaphore_mem>>) src(%dma_wait3A_114 : memref<513x128xf32, #tpu.memory_space<hbm>>) dst(%dma_wait3A_109 : memref<8x128xf32, #tpu.memory_space<vmem>>)
      %dma_wait3A_115 = arith.constant 0 : i32
      %dma_wait3A_116 = arith.constant 0 : i32
      %dma_wait3A_117 = tpu.memref_slice %arg14[%dma_wait3A_115, %dma_wait3A_116] : memref<80x128xf32, #tpu.memory_space<vmem>> -> memref<8x128xf32, #tpu.memory_space<vmem>>
      %dma_wait3A_118 = arith.constant 0 : i32
      %dma_wait3A_119 = tpu.memref_slice %arg9[%dma_wait3A_118] : memref<3128xi32, #tpu.memory_space<vmem>> -> memref<8xi32, #tpu.memory_space<vmem>>
      %dma_wait3A_120 = arith.constant 0 : i32
      %dma_wait3A_121 = arith.constant 0 : i32
      %dma_wait3A_122 = tpu.memref_slice %arg6[%dma_wait3A_120, %dma_wait3A_121] : memref<513x128xf32, #tpu.memory_space<hbm>> -> memref<513x128xf32, #tpu.memory_space<hbm>>
      tpu.wait_indirect_dma semaphore(%arg22 : memref<!tpu.dma_semaphore, #tpu.memory_space<semaphore_mem>>) src(%dma_wait3A_122 : memref<513x128xf32, #tpu.memory_space<hbm>>) dst(%dma_wait3A_117 : memref<8x128xf32, #tpu.memory_space<vmem>>)
      %dma_wait3A_123 = arith.constant 0 : i32
      %dma_wait3A_124 = arith.constant 0 : i32
      %dma_wait3A_125 = tpu.memref_slice %arg18[%dma_wait3A_123, %dma_wait3A_124] : memref<80x128xf32, #tpu.memory_space<vmem>> -> memref<8x128xf32, #tpu.memory_space<vmem>>
      %dma_wait3A_126 = arith.constant 0 : i32
      %dma_wait3A_127 = tpu.memref_slice %arg2[%multiple_of3A, %dma_wait3A_126] : memref<100000x128xf32, #tpu.memory_space<hbm>> -> memref<8x128xf32, #tpu.memory_space<hbm>>
      %dma_wait3A_128 = arith.constant 0 : i32
      %dma_wait3A_129 = arith.constant 0 : i32
      %dma_wait3A_130 = tpu.memref_slice %arg18[%dma_wait3A_128, %dma_wait3A_129] : memref<80x128xf32, #tpu.memory_space<vmem>> -> memref<8x128xf32, #tpu.memory_space<vmem>>
      %dma_wait3A_131 = arith.constant 0 : i32
      %dma_wait3A_132 = tpu.memref_slice %arg2[%multiple_of3A, %dma_wait3A_131] : memref<100000x128xf32, #tpu.memory_space<hbm>> -> memref<8x128xf32, #tpu.memory_space<hbm>>
      tpu.wait_dma2 semaphore(%arg22 : memref<!tpu.dma_semaphore, #tpu.memory_space<semaphore_mem>>) src(%dma_wait3A_132 : memref<8x128xf32, #tpu.memory_space<hbm>>) dst(%dma_wait3A_130 : memref<8x128xf32, #tpu.memory_space<vmem>>)
      %scan3A_133 = arith.constant 0 : i32
      %scan3A_134 = arith.constant 0 : i32
      %scan3A_135 = arith.constant 8 : i32
      %scan3A_136 = arith.addi %scan3A_134, %scan3A_135 : i32
      %scan3A_137 = arith.constant 1 : i32
      scf.for %scan3A_141 = %scan3A_134 to %scan3A_136 step %scan3A_137  : i32 {
        %get3A = arith.index_cast %scan3A_141 : i32 to index
        %get3A_142 = arith.constant 0 : index
        %get3A_143 = tpu.vector_load %arg18[%get3A, %get3A_142] {strides = array<i32>} : memref<80x128xf32, #tpu.memory_space<vmem>>, vector<1x16xf32>,
        %get3A_144 = vector.shape_cast %get3A_143 : vector<1x16xf32> to vector<16xf32>
        %get3A_145 = arith.index_cast %scan3A_141 : i32 to index
        %get3A_146 = arith.constant 0 : index
        %get3A_147 = tpu.vector_load %arg10[%get3A_145, %get3A_146] {strides = array<i32>} : memref<80x128xf32, #tpu.memory_space<vmem>>, vector<1x16xf32>,
        %get3A_148 = vector.shape_cast %get3A_147 : vector<1x16xf32> to vector<16xf32>
        %add3A_149 = arith.addf %get3A_144, %get3A_148 : vector<16xf32>
        %get3A_150 = arith.index_cast %scan3A_141 : i32 to index
        %get3A_151 = arith.constant 0 : index
        %get3A_152 = tpu.vector_load %arg14[%get3A_150, %get3A_151] {strides = array<i32>} : memref<80x128xf32, #tpu.memory_space<vmem>>, vector<1x16xf32>,
        %get3A_153 = vector.shape_cast %get3A_152 : vector<1x16xf32> to vector<16xf32>
        %add3A_154 = arith.addf %add3A_149, %get3A_153 : vector<16xf32>
        %swap3A = arith.index_cast %scan3A_141 : i32 to index
        %swap3A_155 = arith.constant 0 : index
        %swap3A_156 = tpu.vector_load %arg18[%swap3A, %swap3A_155] {strides = array<i32>} : memref<80x128xf32, #tpu.memory_space<vmem>>, vector<1x16xf32>,
        %swap3A_157 = vector.shape_cast %swap3A_156 : vector<1x16xf32> to vector<16xf32>
        %swap3A_158 = vector.shape_cast %add3A_154 : vector<16xf32> to vector<1x16xf32>
        tpu.vector_store %arg18[%swap3A, %swap3A_155], %swap3A_158 {strides = array<i32>} : memref<80x128xf32, #tpu.memory_space<vmem>>, vector<1x16xf32>,
        %get3A_159 = arith.index_cast %scan3A_141 : i32 to index
        %get3A_160 = arith.constant 16 : index
        %get3A_161 = tpu.vector_load %arg18[%get3A_159, %get3A_160] {strides = array<i32>} : memref<80x128xf32, #tpu.memory_space<vmem>>, vector<1x16xf32>,
        %get3A_162 = vector.shape_cast %get3A_161 : vector<1x16xf32> to vector<16xf32>
        %get3A_163 = arith.index_cast %scan3A_141 : i32 to index
        %get3A_164 = arith.constant 16 : index
        %get3A_165 = tpu.vector_load %arg10[%get3A_163, %get3A_164] {strides = array<i32>} : memref<80x128xf32, #tpu.memory_space<vmem>>, vector<1x16xf32>,
        %get3A_166 = vector.shape_cast %get3A_165 : vector<1x16xf32> to vector<16xf32>
        %add3A_167 = arith.addf %get3A_162, %get3A_166 : vector<16xf32>
        %get3A_168 = arith.index_cast %scan3A_141 : i32 to index
        %get3A_169 = arith.constant 16 : index
        %get3A_170 = tpu.vector_load %arg14[%get3A_168, %get3A_169] {strides = array<i32>} : memref<80x128xf32, #tpu.memory_space<vmem>>, vector<1x16xf32>,
        %get3A_171 = vector.shape_cast %get3A_170 : vector<1x16xf32> to vector<16xf32>
        %add3A_172 = arith.addf %add3A_167, %get3A_171 : vector<16xf32>
        %swap3A_173 = arith.index_cast %scan3A_141 : i32 to index
        %swap3A_174 = arith.constant 16 : index
        %swap3A_175 = tpu.vector_load %arg18[%swap3A_173, %swap3A_174] {strides = array<i32>} : memref<80x128xf32, #tpu.memory_space<vmem>>, vector<1x16xf32>,
        %swap3A_176 = vector.shape_cast %swap3A_175 : vector<1x16xf32> to vector<16xf32>
        %swap3A_177 = vector.shape_cast %add3A_172 : vector<16xf32> to vector<1x16xf32>
        tpu.vector_store %arg18[%swap3A_173, %swap3A_174], %swap3A_177 {strides = array<i32>} : memref<80x128xf32, #tpu.memory_space<vmem>>, vector<1x16xf32>,
        %get3A_178 = arith.index_cast %scan3A_141 : i32 to index
        %get3A_179 = arith.constant 32 : index
        %get3A_180 = tpu.vector_load %arg18[%get3A_178, %get3A_179] {strides = array<i32>} : memref<80x128xf32, #tpu.memory_space<vmem>>, vector<1x16xf32>,
        %get3A_181 = vector.shape_cast %get3A_180 : vector<1x16xf32> to vector<16xf32>
        %get3A_182 = arith.index_cast %scan3A_141 : i32 to index
        %get3A_183 = arith.constant 32 : index
        %get3A_184 = tpu.vector_load %arg10[%get3A_182, %get3A_183] {strides = array<i32>} : memref<80x128xf32, #tpu.memory_space<vmem>>, vector<1x16xf32>,
        %get3A_185 = vector.shape_cast %get3A_184 : vector<1x16xf32> to vector<16xf32>
        %add3A_186 = arith.addf %get3A_181, %get3A_185 : vector<16xf32>
        %get3A_187 = arith.index_cast %scan3A_141 : i32 to index
        %get3A_188 = arith.constant 32 : index
        %get3A_189 = tpu.vector_load %arg14[%get3A_187, %get3A_188] {strides = array<i32>} : memref<80x128xf32, #tpu.memory_space<vmem>>, vector<1x16xf32>,
        %get3A_190 = vector.shape_cast %get3A_189 : vector<1x16xf32> to vector<16xf32>
        %add3A_191 = arith.addf %add3A_186, %get3A_190 : vector<16xf32>
        %swap3A_192 = arith.index_cast %scan3A_141 : i32 to index
        %swap3A_193 = arith.constant 32 : index
        %swap3A_194 = tpu.vector_load %arg18[%swap3A_192, %swap3A_193] {strides = array<i32>} : memref<80x128xf32, #tpu.memory_space<vmem>>, vector<1x16xf32>,
        %swap3A_195 = vector.shape_cast %swap3A_194 : vector<1x16xf32> to vector<16xf32>
        %swap3A_196 = vector.shape_cast %add3A_191 : vector<16xf32> to vector<1x16xf32>
        tpu.vector_store %arg18[%swap3A_192, %swap3A_193], %swap3A_196 {strides = array<i32>} : memref<80x128xf32, #tpu.memory_space<vmem>>, vector<1x16xf32>,
        %get3A_197 = arith.index_cast %scan3A_141 : i32 to index
        %get3A_198 = arith.constant 48 : index
        %get3A_199 = tpu.vector_load %arg18[%get3A_197, %get3A_198] {strides = array<i32>} : memref<80x128xf32, #tpu.memory_space<vmem>>, vector<1x16xf32>,
        %get3A_200 = vector.shape_cast %get3A_199 : vector<1x16xf32> to vector<16xf32>
        %get3A_201 = arith.index_cast %scan3A_141 : i32 to index
        %get3A_202 = arith.constant 48 : index
        %get3A_203 = tpu.vector_load %arg10[%get3A_201, %get3A_202] {strides = array<i32>} : memref<80x128xf32, #tpu.memory_space<vmem>>, vector<1x16xf32>,
        %get3A_204 = vector.shape_cast %get3A_203 : vector<1x16xf32> to vector<16xf32>
        %add3A_205 = arith.addf %get3A_200, %get3A_204 : vector<16xf32>
        %get3A_206 = arith.index_cast %scan3A_141 : i32 to index
        %get3A_207 = arith.constant 48 : index
        %get3A_208 = tpu.vector_load %arg14[%get3A_206, %get3A_207] {strides = array<i32>} : memref<80x128xf32, #tpu.memory_space<vmem>>, vector<1x16xf32>,
        %get3A_209 = vector.shape_cast %get3A_208 : vector<1x16xf32> to vector<16xf32>
        %add3A_210 = arith.addf %add3A_205, %get3A_209 : vector<16xf32>
        %swap3A_211 = arith.index_cast %scan3A_141 : i32 to index
        %swap3A_212 = arith.constant 48 : index
        %swap3A_213 = tpu.vector_load %arg18[%swap3A_211, %swap3A_212] {strides = array<i32>} : memref<80x128xf32, #tpu.memory_space<vmem>>, vector<1x16xf32>,
        %swap3A_214 = vector.shape_cast %swap3A_213 : vector<1x16xf32> to vector<16xf32>
        %swap3A_215 = vector.shape_cast %add3A_210 : vector<16xf32> to vector<1x16xf32>
        tpu.vector_store %arg18[%swap3A_211, %swap3A_212], %swap3A_215 {strides = array<i32>} : memref<80x128xf32, #tpu.memory_space<vmem>>, vector<1x16xf32>,
        %get3A_216 = arith.index_cast %scan3A_141 : i32 to index
        %get3A_217 = arith.constant 64 : index
        %get3A_218 = tpu.vector_load %arg18[%get3A_216, %get3A_217] {strides = array<i32>} : memref<80x128xf32, #tpu.memory_space<vmem>>, vector<1x16xf32>,
        %get3A_219 = vector.shape_cast %get3A_218 : vector<1x16xf32> to vector<16xf32>
        %get3A_220 = arith.index_cast %scan3A_141 : i32 to index
        %get3A_221 = arith.constant 64 : index
        %get3A_222 = tpu.vector_load %arg10[%get3A_220, %get3A_221] {strides = array<i32>} : memref<80x128xf32, #tpu.memory_space<vmem>>, vector<1x16xf32>,
        %get3A_223 = vector.shape_cast %get3A_222 : vector<1x16xf32> to vector<16xf32>
        %add3A_224 = arith.addf %get3A_219, %get3A_223 : vector<16xf32>
        %get3A_225 = arith.index_cast %scan3A_141 : i32 to index
        %get3A_226 = arith.constant 64 : index
        %get3A_227 = tpu.vector_load %arg14[%get3A_225, %get3A_226] {strides = array<i32>} : memref<80x128xf32, #tpu.memory_space<vmem>>, vector<1x16xf32>,
        %get3A_228 = vector.shape_cast %get3A_227 : vector<1x16xf32> to vector<16xf32>
        %add3A_229 = arith.addf %add3A_224, %get3A_228 : vector<16xf32>
        %swap3A_230 = arith.index_cast %scan3A_141 : i32 to index
        %swap3A_231 = arith.constant 64 : index
        %swap3A_232 = tpu.vector_load %arg18[%swap3A_230, %swap3A_231] {strides = array<i32>} : memref<80x128xf32, #tpu.memory_space<vmem>>, vector<1x16xf32>,
        %swap3A_233 = vector.shape_cast %swap3A_232 : vector<1x16xf32> to vector<16xf32>
        %swap3A_234 = vector.shape_cast %add3A_229 : vector<16xf32> to vector<1x16xf32>
        tpu.vector_store %arg18[%swap3A_230, %swap3A_231], %swap3A_234 {strides = array<i32>} : memref<80x128xf32, #tpu.memory_space<vmem>>, vector<1x16xf32>,
        %get3A_235 = arith.index_cast %scan3A_141 : i32 to index
        %get3A_236 = arith.constant 80 : index
        %get3A_237 = tpu.vector_load %arg18[%get3A_235, %get3A_236] {strides = array<i32>} : memref<80x128xf32, #tpu.memory_space<vmem>>, vector<1x16xf32>,
        %get3A_238 = vector.shape_cast %get3A_237 : vector<1x16xf32> to vector<16xf32>
        %get3A_239 = arith.index_cast %scan3A_141 : i32 to index
        %get3A_240 = arith.constant 80 : index
        %get3A_241 = tpu.vector_load %arg10[%get3A_239, %get3A_240] {strides = array<i32>} : memref<80x128xf32, #tpu.memory_space<vmem>>, vector<1x16xf32>,
        %get3A_242 = vector.shape_cast %get3A_241 : vector<1x16xf32> to vector<16xf32>
        %add3A_243 = arith.addf %get3A_238, %get3A_242 : vector<16xf32>
        %get3A_244 = arith.index_cast %scan3A_141 : i32 to index
        %get3A_245 = arith.constant 80 : index
        %get3A_246 = tpu.vector_load %arg14[%get3A_244, %get3A_245] {strides = array<i32>} : memref<80x128xf32, #tpu.memory_space<vmem>>, vector<1x16xf32>,
        %get3A_247 = vector.shape_cast %get3A_246 : vector<1x16xf32> to vector<16xf32>
        %add3A_248 = arith.addf %add3A_243, %get3A_247 : vector<16xf32>
        %swap3A_249 = arith.index_cast %scan3A_141 : i32 to index
        %swap3A_250 = arith.constant 80 : index
        %swap3A_251 = tpu.vector_load %arg18[%swap3A_249, %swap3A_250] {strides = array<i32>} : memref<80x128xf32, #tpu.memory_space<vmem>>, vector<1x16xf32>,
        %swap3A_252 = vector.shape_cast %swap3A_251 : vector<1x16xf32> to vector<16xf32>
        %swap3A_253 = vector.shape_cast %add3A_248 : vector<16xf32> to vector<1x16xf32>
        tpu.vector_store %arg18[%swap3A_249, %swap3A_250], %swap3A_253 {strides = array<i32>} : memref<80x128xf32, #tpu.memory_space<vmem>>, vector<1x16xf32>,
        %get3A_254 = arith.index_cast %scan3A_141 : i32 to index
        %get3A_255 = arith.constant 96 : index
        %get3A_256 = tpu.vector_load %arg18[%get3A_254, %get3A_255] {strides = array<i32>} : memref<80x128xf32, #tpu.memory_space<vmem>>, vector<1x16xf32>,
        %get3A_257 = vector.shape_cast %get3A_256 : vector<1x16xf32> to vector<16xf32>
        %get3A_258 = arith.index_cast %scan3A_141 : i32 to index
        %get3A_259 = arith.constant 96 : index
        %get3A_260 = tpu.vector_load %arg10[%get3A_258, %get3A_259] {strides = array<i32>} : memref<80x128xf32, #tpu.memory_space<vmem>>, vector<1x16xf32>,
        %get3A_261 = vector.shape_cast %get3A_260 : vector<1x16xf32> to vector<16xf32>
        %add3A_262 = arith.addf %get3A_257, %get3A_261 : vector<16xf32>
        %get3A_263 = arith.index_cast %scan3A_141 : i32 to index
        %get3A_264 = arith.constant 96 : index
        %get3A_265 = tpu.vector_load %arg14[%get3A_263, %get3A_264] {strides = array<i32>} : memref<80x128xf32, #tpu.memory_space<vmem>>, vector<1x16xf32>,
        %get3A_266 = vector.shape_cast %get3A_265 : vector<1x16xf32> to vector<16xf32>
        %add3A_267 = arith.addf %add3A_262, %get3A_266 : vector<16xf32>
        %swap3A_268 = arith.index_cast %scan3A_141 : i32 to index
        %swap3A_269 = arith.constant 96 : index
        %swap3A_270 = tpu.vector_load %arg18[%swap3A_268, %swap3A_269] {strides = array<i32>} : memref<80x128xf32, #tpu.memory_space<vmem>>, vector<1x16xf32>,
        %swap3A_271 = vector.shape_cast %swap3A_270 : vector<1x16xf32> to vector<16xf32>
        %swap3A_272 = vector.shape_cast %add3A_267 : vector<16xf32> to vector<1x16xf32>
        tpu.vector_store %arg18[%swap3A_268, %swap3A_269], %swap3A_272 {strides = array<i32>} : memref<80x128xf32, #tpu.memory_space<vmem>>, vector<1x16xf32>,
        %get3A_273 = arith.index_cast %scan3A_141 : i32 to index
        %get3A_274 = arith.constant 112 : index
        %get3A_275 = tpu.vector_load %arg18[%get3A_273, %get3A_274] {strides = array<i32>} : memref<80x128xf32, #tpu.memory_space<vmem>>, vector<1x16xf32>,
        %get3A_276 = vector.shape_cast %get3A_275 : vector<1x16xf32> to vector<16xf32>
        %get3A_277 = arith.index_cast %scan3A_141 : i32 to index
        %get3A_278 = arith.constant 112 : index
        %get3A_279 = tpu.vector_load %arg10[%get3A_277, %get3A_278] {strides = array<i32>} : memref<80x128xf32, #tpu.memory_space<vmem>>, vector<1x16xf32>,
        %get3A_280 = vector.shape_cast %get3A_279 : vector<1x16xf32> to vector<16xf32>
        %add3A_281 = arith.addf %get3A_276, %get3A_280 : vector<16xf32>
        %get3A_282 = arith.index_cast %scan3A_141 : i32 to index
        %get3A_283 = arith.constant 112 : index
        %get3A_284 = tpu.vector_load %arg14[%get3A_282, %get3A_283] {strides = array<i32>} : memref<80x128xf32, #tpu.memory_space<vmem>>, vector<1x16xf32>,
        %get3A_285 = vector.shape_cast %get3A_284 : vector<1x16xf32> to vector<16xf32>
        %add3A_286 = arith.addf %add3A_281, %get3A_285 : vector<16xf32>
        %swap3A_287 = arith.index_cast %scan3A_141 : i32 to index
        %swap3A_288 = arith.constant 112 : index
        %swap3A_289 = tpu.vector_load %arg18[%swap3A_287, %swap3A_288] {strides = array<i32>} : memref<80x128xf32, #tpu.memory_space<vmem>>, vector<1x16xf32>,
        %swap3A_290 = vector.shape_cast %swap3A_289 : vector<1x16xf32> to vector<16xf32>
        %swap3A_291 = vector.shape_cast %add3A_286 : vector<16xf32> to vector<1x16xf32>
        tpu.vector_store %arg18[%swap3A_287, %swap3A_288], %swap3A_291 {strides = array<i32>} : memref<80x128xf32, #tpu.memory_space<vmem>>, vector<1x16xf32>,
      }
      %scan3A_138 = arith.constant 8 : i32
      %add3A_139 = arith.constant 3120 : i32
      %add3A_140 = arith.addi %multiple_of3A, %add3A_139 : i32
      "tpu.region"() ({
        %run_scoped3A = tpu.sem_alloc : memref<!tpu.dma_semaphore, #tpu.memory_space<semaphore_mem>>
        %dma_start3A_141 = arith.constant 0 : i32
        %dma_start3A_142 = arith.constant 0 : i32
        %dma_start3A_143 = tpu.memref_slice %arg18[%dma_start3A_141, %dma_start3A_142] : memref<80x128xf32, #tpu.memory_space<vmem>> -> memref<8x128xf32, #tpu.memory_space<vmem>>
        %dma_start3A_144 = arith.constant 0 : i32
        %dma_start3A_145 = tpu.memref_slice %arg7[%add3A_140, %dma_start3A_144] : memref<100000x128xf32, #tpu.memory_space<hbm>> -> memref<8x128xf32, #tpu.memory_space<hbm>>
        %dma_start3A_146 = arith.constant 0 : i32
        %dma_start3A_147 = tpu.memref_slice %arg7[%add3A_140, %dma_start3A_146] : memref<100000x128xf32, #tpu.memory_space<hbm>> -> memref<8x128xf32, #tpu.memory_space<hbm>>
        %dma_start3A_148 = arith.constant 0 : i32
        %dma_start3A_149 = arith.constant 0 : i32
        %dma_start3A_150 = tpu.memref_slice %arg18[%dma_start3A_148, %dma_start3A_149] : memref<80x128xf32, #tpu.memory_space<vmem>> -> memref<8x128xf32, #tpu.memory_space<vmem>>
        tpu.enqueue_dma source(%dma_start3A_150 : memref<8x128xf32, #tpu.memory_space<vmem>>) target(%dma_start3A_147 : memref<8x128xf32, #tpu.memory_space<hbm>>) target_semaphore(%run_scoped3A : memref<!tpu.dma_semaphore, #tpu.memory_space<semaphore_mem>>)
        %dma_wait3A_151 = arith.constant 0 : i32
        %dma_wait3A_152 = arith.constant 0 : i32
        %dma_wait3A_153 = tpu.memref_slice %arg18[%dma_wait3A_151, %dma_wait3A_152] : memref<80x128xf32, #tpu.memory_space<vmem>> -> memref<8x128xf32, #tpu.memory_space<vmem>>
        %dma_wait3A_154 = arith.constant 0 : i32
        %dma_wait3A_155 = tpu.memref_slice %arg7[%add3A_140, %dma_wait3A_154] : memref<100000x128xf32, #tpu.memory_space<hbm>> -> memref<8x128xf32, #tpu.memory_space<hbm>>
        %dma_wait3A_156 = arith.constant 0 : i32
        %dma_wait3A_157 = tpu.memref_slice %arg7[%add3A_140, %dma_wait3A_156] : memref<100000x128xf32, #tpu.memory_space<hbm>> -> memref<8x128xf32, #tpu.memory_space<hbm>>
        %dma_wait3A_158 = arith.constant 0 : i32
        %dma_wait3A_159 = arith.constant 0 : i32
        %dma_wait3A_160 = tpu.memref_slice %arg18[%dma_wait3A_158, %dma_wait3A_159] : memref<80x128xf32, #tpu.memory_space<vmem>> -> memref<8x128xf32, #tpu.memory_space<vmem>>
        tpu.wait_dma2 semaphore(%run_scoped3A : memref<!tpu.dma_semaphore, #tpu.memory_space<semaphore_mem>>) src(%dma_wait3A_160 : memref<8x128xf32, #tpu.memory_space<vmem>>) dst(%dma_wait3A_157 : memref<8x128xf32, #tpu.memory_space<hbm>>)
        tpu.yield
      }) : () -> ()
    } else {
    }
    return
  }
}

</mosaic_0001>

<sc_bundles>
// kernel: kernel.3.cloned.1.call-start
scs
__scs_entry_jumppad:
0x0: {  	(pc) =	sbr.rel $0x88, $3  }
0x1: {  	(tag) =	ssettag $0x0;
	lr =	simm.s32 $0x1  }
0x2: {  	[smem:$0x3F9C] =	sst lr;
	_ =	strace $0xD0000000  }
0x3: {  	_ = 	snop  }
0x4: {  	_ = 	snop  }
0x5: {  	_ = 	snop  }
0x6: {  	_ = 	snop  }
0x7: {  	_ = 	snop  }
__scs_overlays_trampoline_lowered:
0x8: {  	[smem:$0x3FAB] =	sst s0  }
0x9: {  	[smem:$0x3FAC] =	sst s1  }
0xa: {  	[smem:$0x3FAD] =	sst s2  }
0xb: {  	[smem:$0x3FAE] =	sst s3  }
0xc: {  	[smem:$0x3FAF] =	sst s4  }
0xd: {  	[smem:$0x3FB0] =	sst s5  }
0xe: {  	[smem:$0x3FB1] =	sst s6  }
0xf: {  	[smem:$0x3FB2] =	sst s7  }
0x10: {  	[smem:$0x3FB3] =	sst s8  }
0x11: {  	[smem:$0x3FB4] =	sst s9;
	s0 =	simm.s32 @!p0 $0x0  }
0x12: {  	s1 =	sld [smem:$0x3F9A];
	s0 =	simm.s32 @p0 $0x1  }
0x13: {  	[smem:$0x3FB5] =	sst s0;
	s0 =	simm.s32 @!p1 $0x0  }
0x14: {  	s2 =	sld [smem:$0x3F99];
	s0 =	simm.s32 @p1 $0x1  }
0x15: {  	[smem:$0x3FB6] =	sst s0;
	s0 =	simm.s32 @!p2 $0x0  }
0x16: {  	s3 =	sld [smem:$0x3FDB];
	s0 =	simm.s32 @p2 $0x1  }
0x17: {  	s4 =	simm.s32 $0x1BF5;
	[smem:$0x3FB8] =	sst s0  }
0x18: {  	s0 =	sld [smem:$0x3F9B];
	_ =	swait.ge [sflag:s4], $0x0  }
0x19: {  	s7 =	sld [smem:$0x3F9C]  }
0x1a: {  	s8 =	sadd.s32 $0xFFFFE003, lr  }
0x1b: {  	s9 =	sadd.s32 $0xFFFFFEF7, lr;
	s5 =	simm.s32 $0xFFFFFFFF;
	p2 =	slt.u32 s8, $0xFFFFF086  }
0x1c: {  	p1 =	slt.u32 s9, $0xF7A;
	s5 =	simm.s32 @!p2 $0x0  }
0x1d: {  	s5 =	simm.s32 @p1 $0x1;
	p0 =	seq.s32 s7, s2  }
0x1e: {  	s7 =	smul.u32 @!p0 $0xF7A, s2;
	p2 =	seq.s32 @!p0 s5, $0x0  }
0x1f: {  	s9 =	smul.u32 $0xF7A, s1;
	s8 =	simm.s32 @!p0 $0x1BF5;
	p2 =	por !p2, p0  }
0x20: {  	[sflag:s8] =	ssyncset.s32 @!p0 $0xFFFFF086;
	s6 =	sadd.s32 @!p0 s3, s7;
	s7 =	simm.s32 @!p0 $0x108  }
0x21: {  	s3 =	sadd.s32 s3, s9;
	s6 =	sadd.s32 @!p0 $0x88, s6;
	s7 =	simm.s32 @p2 $0x1082  }
0x22: {  	[simem:s7], [sflag:s8] =	dma.local @!p0 [hbm:s6], $0xF7A  }
0x23: {  	s9 =	sor.u32 $0xD0000000, s2;
	s6 =	simm.s32 $0x108;
	_ =	swait.ge @!p0 [sflag:s8], $0x0  }
0x24: {  	s3 =	sadd.s32 $0x88, s3;
	s6 =	simm.s32 @!p1 $0x1082;
	[sflag:s4] =	ssyncset.s32 $0xFFFFF086  }
0x25: {  	[simem:s6], [sflag:s4] =	dma.local [hbm:s3], $0xF7A  }
0x26: {  	[smem:$0x3F9C] =	sst s1;
	(tag) =	ssettag s2;
	_ =	strace s9  }
0x27: {  	s1 =	sld [smem:$0x3FAC]  }
0x28: {  	s2 =	sld [smem:$0x3FAD]  }
0x29: {  	s4 =	sld [smem:$0x3FAF]  }
0x2a: {  	p0 =	seq.s32 s5, $0x0;
	s5 =	sld [smem:$0x3FB0]  }
0x2b: {  	s6 =	sld [smem:$0x3FB1]  }
0x2c: {  	s7 =	sld [smem:$0x3FB2]  }
0x2d: {  	s3 =	simm.s32 $0x108;
	s8 =	sld [smem:$0x3FB3]  }
0x2e: {  	s3 =	simm.s32 @!p0 $0x1082;
	s9 =	sld [smem:$0x3FB4]  }
0x2f: {  	lr =	sadd.s32 s0, s3;
	s0 =	sld [smem:$0x3FAB]  }
0x30: {  	s3 =	sld [smem:$0x3FAE]  }
0x31: {  	[smem:$0x3FB7] =	sst s10  }
0x32: {  	s10 =	sld [smem:$0x3FB5];
	_ =	sdelay $0x3  }
0x33: {  	p0 =	seq.s32 s10, $0x1;
	s10 =	sld [smem:$0x3FB7];
	_ =	sdelay $0x3  }
0x34: {  	[smem:$0x3FB7] =	sst s10  }
0x35: {  	s10 =	sld [smem:$0x3FB6];
	_ =	sdelay $0x3  }
0x36: {  	p1 =	seq.s32 s10, $0x1;
	s10 =	sld [smem:$0x3FB7];
	_ =	sdelay $0x3  }
0x37: {  	[smem:$0x3FB7] =	sst s10  }
0x38: {  	s10 =	sld [smem:$0x3FB8]  }
0x39: {  	_ = 	snop;
	(pc) =	sbr.ind lr, $3  }
0x3a: {  	_ = 	snop  }
0x3b: {  	_ = 	snop  }
0x3c: {  	p2 =	seq.s32 s10, $0x1;
	s10 =	sld [smem:$0x3FB7]  }
0x3d: {  	_ =	shalt  }
0x3e: {  	_ =	shalt  }
0x3f: {  	_ =	shalt  }
0x40: {  	_ =	shalt  }
0x41: {  	_ =	shalt  }
0x42: {  	_ =	shalt  }
0x43: {  	_ =	shalt  }
0x44: {  	_ =	shalt  }
0x45: {  	_ =	shalt  }
0x46: {  	_ =	shalt  }
0x47: {  	_ =	shalt  }
0x48: {  	_ =	shalt  }
0x49: {  	_ =	shalt  }
0x4a: {  	_ =	shalt  }
0x4b: {  	_ =	shalt  }
0x4c: {  	_ =	shalt  }
0x4d: {  	_ =	shalt  }
0x4e: {  	_ =	shalt  }
0x4f: {  	_ =	shalt  }
0x50: {  	_ =	shalt  }
0x51: {  	_ =	shalt  }
0x52: {  	_ =	shalt  }
0x53: {  	_ =	shalt  }
0x54: {  	_ =	shalt  }
0x55: {  	_ =	shalt  }
0x56: {  	_ =	shalt  }
0x57: {  	_ =	shalt  }
0x58: {  	_ =	shalt  }
0x59: {  	_ =	shalt  }
0x5a: {  	_ =	shalt  }
0x5b: {  	_ =	shalt  }
0x5c: {  	_ =	shalt  }
0x5d: {  	_ =	shalt  }
0x5e: {  	_ =	shalt  }
0x5f: {  	_ =	shalt  }
0x60: {  	_ =	shalt  }
0x61: {  	_ =	shalt  }
0x62: {  	_ =	shalt  }
0x63: {  	_ =	shalt  }
0x64: {  	_ =	shalt  }
0x65: {  	_ =	shalt  }
0x66: {  	_ =	shalt  }
0x67: {  	_ =	shalt  }
0x68: {  	_ =	shalt  }
0x69: {  	_ =	shalt  }
0x6a: {  	_ =	shalt  }
0x6b: {  	_ =	shalt  }
0x6c: {  	_ =	shalt  }
0x6d: {  	_ =	shalt  }
0x6e: {  	_ =	shalt  }
0x6f: {  	_ =	shalt  }
0x70: {  	_ =	shalt  }
0x71: {  	_ =	shalt  }
0x72: {  	_ =	shalt  }
0x73: {  	_ =	shalt  }
0x74: {  	_ =	shalt  }
0x75: {  	_ =	shalt  }
0x76: {  	_ =	shalt  }
0x77: {  	_ =	shalt  }
0x78: {  	_ =	shalt  }
0x79: {  	_ =	shalt  }
0x7a: {  	_ =	shalt  }
0x7b: {  	_ =	shalt  }
0x7c: {  	_ =	shalt  }
0x7d: {  	_ =	shalt  }
0x7e: {  	_ =	shalt  }
0x7f: {  	_ =	shalt  }
0x80: {  	_ =	shalt  }
0x81: {  	_ =	shalt  }
0x82: {  	_ =	shalt  }
0x83: {  	_ =	shalt  }
0x84: {  	_ =	shalt  }
0x85: {  	_ =	shalt  }
0x86: {  	_ =	shalt  }
0x87: {  	_ =	shalt  }
.Lfunc_end0:
.L_simem_size_0:
called_computation_lowered:
.L_overlay_start_0:
0x88: {  	s2 =	sld [smem:$0x3FD9]  }
0x89: {  	s3 =	sld [smem:$0x3FFE];
	_ =	sdelay $0x1  }
0x8a: {  	s1 =	srdreg.scid  }
0x8b: {  	s0 =	sand.u32 $0x1, s1  }
0x8c: {  	s18 =	sshll.u32 s0, $0xA;
	s2 =	sadd.s32 s3, s2  }
0x8d: {  	s2 =	sadd.s32 s2, s18  }
0x8e: {  	[smem:$0x3FC3] =	sst s2  }
0x8f: {  	_ = 	snop  }
0x90: {  	s2 =	sld [smem:$0x3FC9]  }
0x91: {  	s19 =	sld [smem:$0x3FC8]  }
0x92: {  	s4 =	sld [smem:$0x3FC7]  }
0x93: {  	s5 =	sld [smem:$0x3FC6]  }
0x94: {  	s6 =	sld [smem:$0x3FC5]  }
0x95: {  	s7 =	sld [smem:$0x3FD0];
	(tm) =	ssettm $0x1  }
0x96: {  	s8 =	sld [smem:$0x3FFB];
	_ =	sdelay $0x3  }
0x97: {  	_ =	strace s8  }
0x98: {  	s8 =	sld [smem:$0x3FFC];
	_ =	sdelay $0x3  }
0x99: {  	_ =	strace s8  }
0x9a: {  	s8 =	sld [smem:$0x3FFD];
	_ =	sdelay $0x3  }
0x9b: {  	_ =	strace s8  }
0x9c: {  	_ =	strace $0x8FFFFFFF  }
0x9d: {  	s20 =	sld [smem:$0x3FDB];
	_ =	sdelay $0x1  }
0x9e: {  	s9 =	simm.s32 $_scs_section_size  }
0x9f: {  	s10 =	simm.s32 $_size__tile_overlayer_lowered;
	s11 =	simm.s32 $_tile_overlayer_lowered  }
0xa0: {  	s23 =	simm.s32 $0x1BFF;
	s22 =	sshll.u32 s11, $0x1;
	s8 =	sadd.s32 s9, s20  }
0xa1: {  	s12 =	simm.s32 $0x0;
	s21 =	sshll.u32 s10, $0x1;
	s10 =	sadd.s32 s22, s8  }
0xa2: {  	[timem:s12], [sflag:s23] =	dma.local [hbm:s10], s21  }
0xa3: {  	_ =	swait.ge [sflag:s23], s21  }
0xa4: {  	s9 =	ssub.s32 $0x0, s21;
	[sflag:s23] =	ssyncset.done $0x0  }
0xa5: {  	[sflag:s23] =	ssyncadd.s32 s9;
	_ =	sdelay $0x1  }
0xa6: {  	s24 =	simm.s32 $0x1B8B  }
0xa7: {  	_ =	swait.ge [sflag:s24], $0x1  }
0xa8: {  	[sflag:s24] =	ssyncset.done $0x0  }
0xa9: {  	s25 =	simm.s32 $0x1B8E;
	[sflag:s24] =	ssyncadd.s32 $0xFFFFFFFF  }
0xaa: {  	s26 =	simm.s32 $execute0_lowered;
	[smem:$0x3FD2] =	sst s25  }
0xab: {  	s9 =	sshll.u32 s26, $0x1;
	_ =	strace $0x80000046;
	[dreg:$0x1] =	wrdreg $0xFFFFFFFF  }
0xac: {  	s28 =	simm.s32 $_size_execute0_lowered;
	s8 =	sadd.s32 s8, s9;
	[dreg:$0x0] =	wrdreg $0x0  }
0xad: {  	s9 =	sshll.u32 s28, $0x1;
	[dreg:$0x2] =	wrdreg s8  }
0xae: {  	[dreg:$0x3] =	wrdreg s9  }
0xaf: {  	[dreg:$0x4] =	wrdreg $0xC0  }
0xb0: {  	_ =	task [dreg:s12], $0x5FFFF  }
0xb1: {  	[dreg:$0x1] =	wrdreg $0xFFFFFFFF  }
0xb2: {  	[dreg:$0x0] =	wrdreg $0x60  }
0xb3: {  	[dreg:$0x2] =	wrdreg s2  }
0xb4: {  	[dreg:$0x3] =	wrdreg s19  }
0xb5: {  	[dreg:$0x4] =	wrdreg s4  }
0xb6: {  	[dreg:$0x5] =	wrdreg s5  }
0xb7: {  	[dreg:$0x6] =	wrdreg s6  }
0xb8: {  	[dreg:$0x7] =	wrdreg s7  }
0xb9: {  	[dreg:$0x8] =	wrdreg $0x9  }
0xba: {  	_ =	task.clear_ibuf [dreg:s12], $0x9FFFF;
	_ =	strace $0x90000046  }
0xbb: {  	s29 =	simm.s32 $0x9;
	_ =	strace $0x80000048  }
0xbc: {  	_ =	swait.ge [sflag:s29], $0x1  }
0xbd: {  	[sflag:s29] =	ssyncadd.s32 $0xFFFFFFFF  }
0xbe: {  	_ =	strace $0x90000048  }
0xbf: {  	_ =	sfence  }
0xc0: {  	s30 =	sld [smem:$0x0];
	_ =	sdelay $0x2  }
0xc1: {  	s31 =	sshll.u32 s1, $0xD;
	s1 =	sshrl.u32 s1, $0x2  }
0xc2: {  	s3 =	sand.u32 $0x4000, s31;
	s1 =	sadd.s32 s1, s30  }
0xc3: {  	s0 =	sor.u32 s3, s0;
	s1 =	sshll.u32 s1, $0x11  }
0xc4: {  	s0 =	sor.u32 s1, s0  }
0xc5: {  	s0 =	sadd.s32 $0x8F2B, s0  }
0xc6: {  	[sflag:s0] =	ssyncadd.remote.s32 $0x1  }
0xc7: {  	_ =	sfence.sel $0xFFFF  }
0xc8: {  	[dreg:$0x0] =	wrdreg $0xFFFFFFFF;
	(pc) =	sbr.abs _section_cstart, $3  }
0xc9: {  	[dreg:$0x1] =	wrdreg $0xFFFFFFFF  }
0xca: {  	_ =	task.clear_ibuf [dreg:s12], $0x2FFFF;
	_ =	strace $0x9FFFFFFF  }
0xcb: {  	(tm) =	ssettm $0x7FFFFFFF  }
tec
execute0_lowered:
.L_overlay_start_1:
0x0: {  	(tag) =	ssettag $0x1  }
0x1: {  	s0 =	rddreg [dreg:$0x0]  }
0x2: {  	s1 =	rddreg [dreg:$0x1]  }
0x3: {  	s2 =	rddreg [dreg:$0x2]  }
0x4: {  	s3 =	rddreg [dreg:$0x3]  }
0x5: {  	s4 =	rddreg [dreg:$0x4]  }
0x6: {  	s5 =	rddreg [dreg:$0x5]  }
0x7: {  	s6 =	srdreg.scid;
	s8 =	stileid.u32  }
0x8: {  	s17 =	simm.s32 $0x1;
	s18 =	simm.s32 $0x2;
	s19 =	simm.s32 $0x50  }
0x9: {  	s28 =	simm.s32 $0x6900;
	s29 =	simm.s32 $0x10900;
	s30 =	simm.s32 $0x1A900  }
0xa: {  	s31 =	simm.s32 $0x3;
	s7 =	sand.u32 $0x1, s6;
	s8 =	sshll.u32 s8, $0x1  }
0xb: {  	s20 =	simm.s32 $0x0;
	s6 =	simm.s32 $0x0;
	s8 =	sor.u32 s7, s8  }
0xc: {  	s9 =	ssub.s32 $0x2, s7;
	[smem:$0x7FF] =	sst s6;
	s10 =	smul.u32 $0xC35, s8  }
0xd: {  	s21 =	sshrl.u32 s9, $0x1;
	_ =	strace $0x80000047;
	s8 =	smul.u32 $0x61A80, s8  }
0xe: {  	s9 =	ssub.s32 s9, s21;
	s7 =	sadd.s32 $0x4, s10;
	s11 =	sadd.s32 $0xC39, s10  }
0xf: {  	s22 =	sshrl.u32 s8, $0x3;
	s26 =	smax.u32 s9, $0x1;
	s15 =	sadd.s32 $0x54, s10  }
0x10: {  	s12 =	sand.u32 $0x3FFF8, s7;
	s11 =	sand.u32 $0x3FFF8, s11;
	s13 =	sshrl.u32 s7, $0x3  }
0x11: {  	s23 =	sshll.u32 s7, $0x4;
	s8 =	sadd.s32 $0x540, s22;
	[dreg:$0xd] =	wrdreg s26  }
0x12: {  	s26 =	simm.s32 $0x18100;
	s12 =	ssub.s32 s11, s12;
	s1 =	sadd.s32 s1, s13  }
0x13: {  	s2 =	sadd.s32 s2, s13;
	s8 =	sand.u32 $0x3FFF80, s8;
	[dreg:$0x7] =	wrdreg s1  }
0x14: {  	[dreg:$0x8] =	wrdreg s2;
	s2 =	sand.u32 $0x3FFF80, s23;
	s1 =	sadd.s32 $0xC340, s22  }
0x15: {  	s24 =	sadd.s32 s0, s8;
	s22 =	simm.s32 $0x15900;
	p0 =	sne.s32 s12, $0xC38  }
.Ltmp0:
0x16: {  	s23 =	simm.s32 $0x5;
	s12 =	simm.s32 $0x8;
	(pc) =	sbr.rel .LBB2_1-.Ltmp0, $4  }
0x17: {  	s2 =	sadd.s32 s0, s2;
	[dreg:$0xa] =	wrdreg s24;
	s1 =	sand.u32 $0x3FFF80, s1  }
0x18: {  	s24 =	simm.s32 $0x6;
	[dreg:$0x9] =	wrdreg s2;
	s25 =	sadd.s32 s0, s1  }
0x19: {  	s1 =	sadd.s32 s5, s1;
	s2 =	simm.s32 $0x1D100;
	[dreg:$0xb] =	wrdreg s25  }
0x1a: {  	[dreg:$0xc] =	wrdreg s1;
	s1 =	simm.s32 $0x4;
	s25 =	simm.s32 $0x7  }
.LBB2_17:
0x1b: {  	s20 =	sadd.s32 $0x1, s20;
	s8 =	rddreg [dreg:$0xd]  }
0x1c: {  	p1 =	sne.s32 s20, s8  }
.Ltmp1:
0x1d: {  	_ = 	snop;
	(pc) =	sbr.rel @!p1 .LBB2_18-.Ltmp1, $1  }
0x1e: {  	_ =	sdelay $0x3  }
.LBB2_1:
0x1f: {  	s8 =	rddreg [dreg:$0x7]  }
0x20: {  	[tilespmem:s6], [sflag:$0x1] =	stream.linear.gather [hbm4b:s8+s6], $0xC38, $0x38;
	[tilespmem:$0x1F900] =	vst v63  }
0x21: {  	s16 =	rddreg [dreg:$0x8];
	s9 =	simm.s32 $0xC80  }
0x22: {  	[tilespmem:s9], [sflag:$0x2] =	stream.linear.gather [hbm4b:s16+s6], $0xC38, $0x38;
	[tilespmem:$0x1F900] =	vst v63  }
0x23: {  	_ =	swait.ge [sflag:s17], $0xC38  }
0x24: {  	[sflag:s17] =	ssyncset.done $0x0  }
0x25: {  	[sflag:s17] =	ssyncadd.s32 $0xFFFFF3C8  }
0x26: {  	_ =	swait.ge [sflag:s18], $0xC38  }
0x27: {  	[sflag:s18] =	ssyncset.done $0x0  }
0x28: {  	s21 =	simm.s32 $0x1900;
	[sflag:s18] =	ssyncadd.s32 $0xFFFFF3C8  }
0x29: {  	[tilespmem:s21], [sflag:$0x1] =	stream.indirect.gather [hbm4b:s3+s19], $0x80, s6, s19, $0xb8;
	[tilespmem:$0x1F900] =	vst v63  }
0x2a: {  	s10 =	simm.s32 $0xB900  }
0x2b: {  	[tilespmem:s10], [sflag:$0x1] =	stream.indirect.gather [hbm4b:s4+s19], $0x80, s9, s19, $0xb8;
	[tilespmem:$0x1F900] =	vst v63  }
0x2c: {  	s11 =	rddreg [dreg:$0x9]  }
0x2d: {  	[tilespmem:s22], [sflag:$0x1] =	stream.linear.gather [hbm4b:s11+s6], $0x2800, $0x38;
	[tilespmem:$0x1F900] =	vst v63  }
0x2e: {  	s13 =	simm.s32 $0x4100  }
0x2f: {  	[tilespmem:s13], [sflag:$0x2] =	stream.indirect.gather [hbm4b:s3+s19], $0x80, s19, s19, $0xb8;
	[tilespmem:$0x1F900] =	vst v63  }
.Ltmp2:
0x30: {  	s14 =	simm.s32 $0xCD0;
	s16 =	simm.s32 $0xE100;
	(pc) =	sbr.rel .LBB2_2-.Ltmp2, $4  }
0x31: {  	[tilespmem:s16], [sflag:$0x2] =	stream.indirect.gather [hbm4b:s4+s19], $0x80, s14, s19, $0xb8;
	[tilespmem:$0x1F900] =	vst v63  }
0x32: {  	s21 =	rddreg [dreg:$0xa]  }
0x33: {  	[tilespmem:s26], [sflag:$0x2] =	stream.linear.gather [hbm4b:s21+s6], $0x2800, $0x38;
	[tilespmem:$0x1F900] =	vst v63  }
0x34: {  	s21 =	simm.s32 $0x0  }
.LBB2_12:
0x35: {  	s21 =	sadd.s32 $0x1, s21  }
0x36: {  	p1 =	sne.s32 s21, $0xA  }
.Ltmp3:
0x37: {  	_ = 	snop;
	(pc) =	sbr.rel @!p1 .LBB2_13-.Ltmp3, $1  }
0x38: {  	_ =	sdelay $0x3  }
.LBB2_2:
0x39: {  	p1 =	seq.s32 s21, $0x0  }
0x3a: {  	s13 =	smul.u32 $0x140, s21;
	s8 =	simm.s32 @!p1 $0x7  }
0x3b: {  	_ =	swait.ge @!p1 [sflag:s8], $0x2800  }
0x3c: {  	s11 =	sadd.s32 $0xA0, s13;
	[sflag:s8] =	ssyncset.done @!p1 $0x0  }
0x3d: {  	[sflag:s8] =	ssyncadd.s32 @!p1 $0xFFFFD800;
	s8 =	sadd.s32 s7, s11  }
0x3e: {  	[tilespmem:s28], [sflag:$0x3] =	stream.indirect.gather [hbm4b:s3+s19], $0x80, s11, s19, $0xb8;
	[tilespmem:$0x1F900] =	vst v63  }
0x3f: {  	s8 =	sshll.u32 s8, $0x4  }
0x40: {  	s9 =	sadd.s32 $0xD20, s13;
	s16 =	sand.u32 $0xFFFFF80, s8  }
0x41: {  	[tilespmem:s29], [sflag:$0x3] =	stream.indirect.gather [hbm4b:s4+s19], $0x80, s9, s19, $0xb8;
	[tilespmem:$0x1F900] =	vst v63  }
0x42: {  	s14 =	simm.s32 $0x0;
	s8 =	sadd.s32 s0, s16  }
0x43: {  	[tilespmem:s30], [sflag:$0x3] =	stream.linear.gather [hbm4b:s8+s14], $0x2800, $0x38;
	[tilespmem:$0x1F900] =	vst v63  }
0x44: {  	_ =	swait.ge [sflag:s17], $0x2800  }
0x45: {  	[sflag:s17] =	ssyncset.done $0x0  }
0x46: {  	[sflag:s17] =	ssyncadd.s32 $0xFFFFD800  }
0x47: {  	_ =	swait.ge [sflag:s17], $0x2800  }
0x48: {  	[sflag:s17] =	ssyncset.done $0x0  }
0x49: {  	[sflag:s17] =	ssyncadd.s32 $0xFFFFD800  }
0x4a: {  	_ =	swait.ge [sflag:s17], $0x2800  }
0x4b: {  	[sflag:s17] =	ssyncset.done $0x0  }
0x4c: {  	s8 =	simm.s32 $0x0;
	[sflag:s17] =	ssyncadd.s32 $0xFFFFD800  }
0x4d: {  	v5 =	vld [tilespmem:s8+$0xB900]  }
0x4e: {  	v4 =	vld [tilespmem:s8+$0xB910]  }
0x4f: {  	v3 =	vld [tilespmem:s8+$0xB920]  }
0x50: {  	v2 =	vld [tilespmem:s8+$0xB930]  }
0x51: {  	v1 =	vld [tilespmem:s8+$0xB940]  }
0x52: {  	v0 =	vld [tilespmem:s8+$0xB950]  }
0x53: {  	v12 =	vld [tilespmem:s8+$0x1900]  }
0x54: {  	v17 =	vld [tilespmem:s8+$0x1910]  }
0x55: {  	v11 =	vld [tilespmem:s8+$0x1920]  }
0x56: {  	v10 =	vld [tilespmem:s8+$0x1930]  }
0x57: {  	v9 =	vld [tilespmem:s8+$0x1940]  }
0x58: {  	v8 =	vld [tilespmem:s8+$0x1950]  }
0x59: {  	v7 =	vld [tilespmem:s8+$0x1960]  }
0x5a: {  	v6 =	vld [tilespmem:s8+$0x1970]  }
0x5b: {  	v18 =	vld [tilespmem:s8+$0x15900]  }
0x5c: {  	v19 =	vld [tilespmem:s8+$0x15910]  }
0x5d: {  	v16 =	vld [tilespmem:s8+$0x15920]  }
0x5e: {  	v15 =	vld [tilespmem:s8+$0x15930]  }
0x5f: {  	v14 =	vld [tilespmem:s8+$0x15940]  }
0x60: {  	v13 =	vld [tilespmem:s8+$0x15950];
	v18 =	vadd.f32 v12, v18  }
0x61: {  	s10 =	simm.s32 $0x200;
	s9 =	sshll.u32 s21, $0x2;
	v17 =	vadd.f32 v17, v19;
	v12 =	vld [tilespmem:s8+$0x15960]  }
.LBB2_3:
0x62: {  	p1 =	sne.s32 s10, $0x9E00;
	v5 =	vadd.f32 v5, v18;
	v11 =	vadd.f32 v11, v16;
	v16 =	vld [tilespmem:s8+$0x15970]  }
0x63: {  	v4 =	vadd.f32 v4, v17;
	v10 =	vadd.f32 v10, v15;
	v15 =	vld [tilespmem:s8+$0xB960]  }
0x64: {  	s11 =	sshra.s32 s10, $0x2;
	[tilespmem:s8+$0x15900] =	vst v5;
	v3 =	vadd.f32 v3, v11;
	v9 =	vadd.f32 v9, v14;
	v11 =	vld [tilespmem:s8+$0xB970]  }
0x65: {  	v5 =	vld [tilespmem:s11+$0xB900];
	[tilespmem:s8+$0x15910] =	vst v4;
	v2 =	vadd.f32 v2, v10;
	v8 =	vadd.f32 v8, v13  }
0x66: {  	v4 =	vld [tilespmem:s11+$0xB910];
	[tilespmem:s8+$0x15920] =	vst v3;
	v1 =	vadd.f32 v1, v9;
	v7 =	vadd.f32 v7, v12  }
0x67: {  	v3 =	vld [tilespmem:s11+$0xB920];
	[tilespmem:s8+$0x15930] =	vst v2;
	v0 =	vadd.f32 v0, v8;
	v6 =	vadd.f32 v6, v16  }
0x68: {  	v2 =	vld [tilespmem:s11+$0xB930];
	[tilespmem:s8+$0x15940] =	vst v1;
	v7 =	vadd.f32 v15, v7  }
0x69: {  	v1 =	vld [tilespmem:s11+$0xB940];
	[tilespmem:s8+$0x15950] =	vst v0;
	v6 =	vadd.f32 v11, v6  }
0x6a: {  	v0 =	vld [tilespmem:s11+$0xB950];
	[tilespmem:s8+$0x15960] =	vst v7  }
0x6b: {  	v12 =	vld [tilespmem:s11+$0x1900];
	[tilespmem:s8+$0x15970] =	vst v6;
	s8 =	smov.u32 s11  }
0x6c: {  	v17 =	vld [tilespmem:s8+$0x1910]  }
0x6d: {  	v11 =	vld [tilespmem:s8+$0x1920]  }
0x6e: {  	v10 =	vld [tilespmem:s8+$0x1930]  }
0x6f: {  	v9 =	vld [tilespmem:s8+$0x1940]  }
0x70: {  	v8 =	vld [tilespmem:s8+$0x1950]  }
0x71: {  	v7 =	vld [tilespmem:s8+$0x1960]  }
0x72: {  	v6 =	vld [tilespmem:s8+$0x1970]  }
0x73: {  	v13 =	vld [tilespmem:s8+$0x15900]  }
0x74: {  	v19 =	vld [tilespmem:s8+$0x15910]  }
.Ltmp4:
0x75: {  	v16 =	vld [tilespmem:s8+$0x15920];
	(pc) =	sbr.rel @p1 .LBB2_3-.Ltmp4, $4  }
0x76: {  	v15 =	vld [tilespmem:s8+$0x15930]  }
0x77: {  	v14 =	vld [tilespmem:s8+$0x15940]  }
0x78: {  	v18 =	vadd.f32 v12, v13;
	v13 =	vld [tilespmem:s8+$0x15950]  }
0x79: {  	s10 =	sadd.s32 $0x200, s10;
	v17 =	vadd.f32 v17, v19;
	v12 =	vld [tilespmem:s8+$0x15960]  }
0x7a: {  	v5 =	vadd.f32 v5, v18;
	v18 =	vld [tilespmem:s8+$0x15970];
	v11 =	vadd.f32 v11, v16  }
0x7b: {  	v16 =	vld [tilespmem:s8+$0xB960];
	v4 =	vadd.f32 v4, v17;
	v10 =	vadd.f32 v10, v15  }
0x7c: {  	[tilespmem:s8+$0x15900] =	vst v5;
	v3 =	vadd.f32 v3, v11;
	v5 =	vadd.f32 v9, v14;
	v9 =	vld [tilespmem:s8+$0xB970]  }
0x7d: {  	[tilespmem:s8+$0x15910] =	vst v4;
	v2 =	vadd.f32 v2, v10;
	v4 =	vadd.f32 v8, v13  }
0x7e: {  	[tilespmem:s8+$0x15920] =	vst v3;
	v1 =	vadd.f32 v1, v5;
	v3 =	vadd.f32 v7, v12  }
0x7f: {  	[tilespmem:s8+$0x15930] =	vst v2;
	v0 =	vadd.f32 v0, v4;
	v2 =	vadd.f32 v6, v18  }
0x80: {  	s10 =	sadd.s32 s7, s13;
	[tilespmem:s8+$0x15940] =	vst v1;
	v1 =	vadd.f32 v16, v3  }
0x81: {  	s10 =	sshll.u32 s10, $0x4;
	[tilespmem:s8+$0x15950] =	vst v0;
	v0 =	vadd.f32 v9, v2  }
0x82: {  	s10 =	sand.u32 $0xFFFFF80, s10;
	[tilespmem:s8+$0x15960] =	vst v1  }
0x83: {  	s14 =	sadd.s32 s5, s10;
	[tilespmem:s8+$0x15970] =	vst v0;
	s8 =	sor.u32 $0x3, s9  }
0x84: {  	[hbm4b:s14+s6] =	stream.linear.scatter [tilespmem:s22], [sflag:$0x5], $0x2800, $0x38;
	[tilespmem:$0x1F900] =	vst v63  }
0x85: {  	p1 =	sgt.u32 s8, $0x26  }
0x86: {  	p2 =	seq.s32 @!p1 s21, $0x0  }
0x87: {  	p2 =	por p2, p1  }
0x88: {  	s9 =	simm.s32 @!p2 $0x8  }
0x89: {  	_ =	swait.ge @!p2 [sflag:s9], $0x2800  }
0x8a: {  	s10 =	smul.u32 @!p1 $0x50, s8;
	[sflag:s9] =	ssyncset.done @!p2 $0x0  }
0x8b: {  	s11 =	simm.s32 @!p1 $0x9100;
	[sflag:s9] =	ssyncadd.s32 @!p2 $0xFFFFD800;
	s9 =	simm.s32 @!p1 $0x50  }
0x8c: {  	[tilespmem:s11], [sflag:$0x4] =	stream.indirect.gather @!p1 [hbm4b:s3+s9], $0x80, s10, s9, $0xb8;
	[tilespmem:$0x1F900] =	vst v63  }
0x8d: {  	s14 =	simm.s32 @!p1 $0x13100;
	s11 =	sadd.s32 @!p1 $0xC80, s10  }
0x8e: {  	[tilespmem:s14], [sflag:$0x4] =	stream.indirect.gather @!p1 [hbm4b:s4+s9], $0x80, s11, s9, $0xb8;
	[tilespmem:$0x1F900] =	vst v63  }
0x8f: {  	s9 =	sadd.s32 @!p1 s7, s10  }
0x90: {  	s9 =	sshll.u32 @!p1 s9, $0x4  }
0x91: {  	s9 =	sand.u32 @!p1 $0xFFFFF80, s9  }
0x92: {  	s10 =	simm.s32 @!p1 $0x0;
	s11 =	simm.s32 @!p1 $0x1D100;
	s9 =	sadd.s32 @!p1 s0, s9  }
0x93: {  	[tilespmem:s11], [sflag:$0x4] =	stream.linear.gather @!p1 [hbm4b:s9+s10], $0x2800, $0x38;
	[tilespmem:$0x1F900] =	vst v63  }
0x94: {  	_ =	swait.ge [sflag:s18], $0x2800  }
0x95: {  	[sflag:s18] =	ssyncset.done $0x0  }
0x96: {  	[sflag:s18] =	ssyncadd.s32 $0xFFFFD800  }
0x97: {  	_ =	swait.ge [sflag:s18], $0x2800  }
0x98: {  	[sflag:s18] =	ssyncset.done $0x0  }
0x99: {  	[sflag:s18] =	ssyncadd.s32 $0xFFFFD800  }
0x9a: {  	_ =	swait.ge [sflag:s18], $0x2800  }
0x9b: {  	[sflag:s18] =	ssyncset.done $0x0  }
0x9c: {  	s9 =	simm.s32 $0x0;
	[sflag:s18] =	ssyncadd.s32 $0xFFFFD800  }
0x9d: {  	v5 =	vld [tilespmem:s9+$0xE100]  }
0x9e: {  	v4 =	vld [tilespmem:s9+$0xE110]  }
0x9f: {  	v3 =	vld [tilespmem:s9+$0xE120]  }
0xa0: {  	v2 =	vld [tilespmem:s9+$0xE130]  }
0xa1: {  	v1 =	vld [tilespmem:s9+$0xE140]  }
0xa2: {  	v0 =	vld [tilespmem:s9+$0xE150]  }
0xa3: {  	v12 =	vld [tilespmem:s9+$0x4100]  }
0xa4: {  	v17 =	vld [tilespmem:s9+$0x4110]  }
0xa5: {  	v11 =	vld [tilespmem:s9+$0x4120]  }
0xa6: {  	v10 =	vld [tilespmem:s9+$0x4130]  }
0xa7: {  	v9 =	vld [tilespmem:s9+$0x4140]  }
0xa8: {  	v8 =	vld [tilespmem:s9+$0x4150]  }
0xa9: {  	v7 =	vld [tilespmem:s9+$0x4160]  }
0xaa: {  	v6 =	vld [tilespmem:s9+$0x4170]  }
0xab: {  	v18 =	vld [tilespmem:s9+$0x18100]  }
0xac: {  	v19 =	vld [tilespmem:s9+$0x18110]  }
0xad: {  	v16 =	vld [tilespmem:s9+$0x18120]  }
0xae: {  	v15 =	vld [tilespmem:s9+$0x18130]  }
0xaf: {  	v14 =	vld [tilespmem:s9+$0x18140]  }
0xb0: {  	v13 =	vld [tilespmem:s9+$0x18150];
	v18 =	vadd.f32 v12, v18  }
0xb1: {  	s10 =	simm.s32 $0x200;
	v17 =	vadd.f32 v17, v19;
	v12 =	vld [tilespmem:s9+$0x18160]  }
.LBB2_5:
0xb2: {  	p2 =	sne.s32 s10, $0x9E00;
	v5 =	vadd.f32 v5, v18;
	v11 =	vadd.f32 v11, v16;
	v16 =	vld [tilespmem:s9+$0x18170]  }
0xb3: {  	v4 =	vadd.f32 v4, v17;
	v10 =	vadd.f32 v10, v15;
	v15 =	vld [tilespmem:s9+$0xE160]  }
0xb4: {  	s11 =	sshra.s32 s10, $0x2;
	[tilespmem:s9+$0x18100] =	vst v5;
	v3 =	vadd.f32 v3, v11;
	v9 =	vadd.f32 v9, v14;
	v11 =	vld [tilespmem:s9+$0xE170]  }
0xb5: {  	v5 =	vld [tilespmem:s11+$0xE100];
	[tilespmem:s9+$0x18110] =	vst v4;
	v2 =	vadd.f32 v2, v10;
	v8 =	vadd.f32 v8, v13  }
0xb6: {  	v4 =	vld [tilespmem:s11+$0xE110];
	[tilespmem:s9+$0x18120] =	vst v3;
	v1 =	vadd.f32 v1, v9;
	v7 =	vadd.f32 v7, v12  }
0xb7: {  	v3 =	vld [tilespmem:s11+$0xE120];
	[tilespmem:s9+$0x18130] =	vst v2;
	v0 =	vadd.f32 v0, v8;
	v6 =	vadd.f32 v6, v16  }
0xb8: {  	v2 =	vld [tilespmem:s11+$0xE130];
	[tilespmem:s9+$0x18140] =	vst v1;
	v7 =	vadd.f32 v15, v7  }
0xb9: {  	v1 =	vld [tilespmem:s11+$0xE140];
	[tilespmem:s9+$0x18150] =	vst v0;
	v6 =	vadd.f32 v11, v6  }
0xba: {  	v0 =	vld [tilespmem:s11+$0xE150];
	[tilespmem:s9+$0x18160] =	vst v7  }
0xbb: {  	v12 =	vld [tilespmem:s11+$0x4100];
	[tilespmem:s9+$0x18170] =	vst v6;
	s9 =	smov.u32 s11  }
0xbc: {  	v17 =	vld [tilespmem:s9+$0x4110]  }
0xbd: {  	v11 =	vld [tilespmem:s9+$0x4120]  }
0xbe: {  	v10 =	vld [tilespmem:s9+$0x4130]  }
0xbf: {  	v9 =	vld [tilespmem:s9+$0x4140]  }
0xc0: {  	v8 =	vld [tilespmem:s9+$0x4150]  }
0xc1: {  	v7 =	vld [tilespmem:s9+$0x4160]  }
0xc2: {  	v6 =	vld [tilespmem:s9+$0x4170]  }
0xc3: {  	v13 =	vld [tilespmem:s9+$0x18100]  }
0xc4: {  	v19 =	vld [tilespmem:s9+$0x18110]  }
.Ltmp5:
0xc5: {  	v16 =	vld [tilespmem:s9+$0x18120];
	(pc) =	sbr.rel @p2 .LBB2_5-.Ltmp5, $4  }
0xc6: {  	v15 =	vld [tilespmem:s9+$0x18130]  }
0xc7: {  	v14 =	vld [tilespmem:s9+$0x18140]  }
0xc8: {  	v18 =	vadd.f32 v12, v13;
	v13 =	vld [tilespmem:s9+$0x18150]  }
0xc9: {  	s10 =	sadd.s32 $0x200, s10;
	v17 =	vadd.f32 v17, v19;
	v12 =	vld [tilespmem:s9+$0x18160]  }
0xca: {  	v5 =	vadd.f32 v5, v18;
	v18 =	vld [tilespmem:s9+$0x18170];
	v11 =	vadd.f32 v11, v16  }
0xcb: {  	v16 =	vld [tilespmem:s9+$0xE160];
	v4 =	vadd.f32 v4, v17;
	v10 =	vadd.f32 v10, v15  }
0xcc: {  	[tilespmem:s9+$0x18100] =	vst v5;
	v3 =	vadd.f32 v3, v11;
	v5 =	vadd.f32 v9, v14;
	v9 =	vld [tilespmem:s9+$0xE170]  }
0xcd: {  	[tilespmem:s9+$0x18110] =	vst v4;
	v2 =	vadd.f32 v2, v10;
	v4 =	vadd.f32 v8, v13  }
0xce: {  	[tilespmem:s9+$0x18120] =	vst v3;
	v1 =	vadd.f32 v1, v5;
	v3 =	vadd.f32 v7, v12  }
0xcf: {  	[tilespmem:s9+$0x18130] =	vst v2;
	v0 =	vadd.f32 v0, v4;
	v2 =	vadd.f32 v6, v18  }
0xd0: {  	s10 =	sadd.s32 s15, s13;
	[tilespmem:s9+$0x18140] =	vst v1;
	v1 =	vadd.f32 v16, v3  }
0xd1: {  	s10 =	sshll.u32 s10, $0x4;
	[tilespmem:s9+$0x18150] =	vst v0;
	v0 =	vadd.f32 v9, v2  }
0xd2: {  	p2 =	seq.s32 s21, $0x9;
	s10 =	sand.u32 $0xFFFFF80, s10;
	[tilespmem:s9+$0x18160] =	vst v1  }
0xd3: {  	s14 =	sadd.s32 s5, s10;
	[tilespmem:s9+$0x18170] =	vst v0;
	s9 =	simm.s32 @!p2 $0x5  }
0xd4: {  	[hbm4b:s14+s6] =	stream.linear.scatter [tilespmem:s26], [sflag:$0x6], $0x2800, $0x38;
	[tilespmem:$0x1F900] =	vst v63  }
0xd5: {  	_ =	swait.ge @!p2 [sflag:s9], $0x2800  }
0xd6: {  	s11 =	simm.s32 @!p2 $0x1900;
	[sflag:s9] =	ssyncset.done @!p2 $0x0  }
0xd7: {  	s10 =	simm.s32 @!p2 $0x50;
	[sflag:s9] =	ssyncadd.s32 @!p2 $0xFFFFD800;
	s9 =	sadd.s32 @!p2 $0x140, s13  }
0xd8: {  	[tilespmem:s11], [sflag:$0x1] =	stream.indirect.gather @!p2 [hbm4b:s3+s10], $0x80, s9, s10, $0xb8;
	[tilespmem:$0x1F900] =	vst v63  }
0xd9: {  	s9 =	sadd.s32 @!p2 s7, s9  }
0xda: {  	s14 =	simm.s32 @!p2 $0xB900;
	s11 =	sadd.s32 @!p2 $0xDC0, s13;
	s9 =	sshll.u32 @!p2 s9, $0x4  }
0xdb: {  	[tilespmem:s14], [sflag:$0x1] =	stream.indirect.gather @!p2 [hbm4b:s4+s10], $0x80, s11, s10, $0xb8;
	[tilespmem:$0x1F900] =	vst v63  }
0xdc: {  	s9 =	sand.u32 @!p2 $0xFFFFF80, s9  }
0xdd: {  	s10 =	simm.s32 @!p2 $0x0;
	s11 =	simm.s32 @!p2 $0x15900;
	s9 =	sadd.s32 @!p2 s0, s9  }
0xde: {  	[tilespmem:s11], [sflag:$0x1] =	stream.linear.gather @!p2 [hbm4b:s9+s10], $0x2800, $0x38;
	[tilespmem:$0x1F900] =	vst v63  }
0xdf: {  	_ =	swait.ge [sflag:s31], $0x2800  }
0xe0: {  	[sflag:s31] =	ssyncset.done $0x0  }
0xe1: {  	[sflag:s31] =	ssyncadd.s32 $0xFFFFD800  }
0xe2: {  	_ =	swait.ge [sflag:s31], $0x2800  }
0xe3: {  	[sflag:s31] =	ssyncset.done $0x0  }
0xe4: {  	[sflag:s31] =	ssyncadd.s32 $0xFFFFD800  }
0xe5: {  	_ =	swait.ge [sflag:s31], $0x2800  }
0xe6: {  	[sflag:s31] =	ssyncset.done $0x0  }
0xe7: {  	s9 =	simm.s32 $0x0;
	[sflag:s31] =	ssyncadd.s32 $0xFFFFD800  }
0xe8: {  	v5 =	vld [tilespmem:s9+$0x10900]  }
0xe9: {  	v4 =	vld [tilespmem:s9+$0x10910]  }
0xea: {  	v3 =	vld [tilespmem:s9+$0x10920]  }
0xeb: {  	v2 =	vld [tilespmem:s9+$0x10930]  }
0xec: {  	v1 =	vld [tilespmem:s9+$0x10940]  }
0xed: {  	v0 =	vld [tilespmem:s9+$0x10950]  }
0xee: {  	v12 =	vld [tilespmem:s9+$0x6900]  }
0xef: {  	v17 =	vld [tilespmem:s9+$0x6910]  }
0xf0: {  	v11 =	vld [tilespmem:s9+$0x6920]  }
0xf1: {  	v10 =	vld [tilespmem:s9+$0x6930]  }
0xf2: {  	v9 =	vld [tilespmem:s9+$0x6940]  }
0xf3: {  	v8 =	vld [tilespmem:s9+$0x6950]  }
0xf4: {  	v7 =	vld [tilespmem:s9+$0x6960]  }
0xf5: {  	v6 =	vld [tilespmem:s9+$0x6970]  }
0xf6: {  	v18 =	vld [tilespmem:s9+$0x1A900]  }
0xf7: {  	v19 =	vld [tilespmem:s9+$0x1A910]  }
0xf8: {  	v16 =	vld [tilespmem:s9+$0x1A920]  }
0xf9: {  	v15 =	vld [tilespmem:s9+$0x1A930]  }
0xfa: {  	v14 =	vld [tilespmem:s9+$0x1A940]  }
0xfb: {  	v13 =	vld [tilespmem:s9+$0x1A950];
	v18 =	vadd.f32 v12, v18  }
0xfc: {  	s10 =	simm.s32 $0x200;
	v17 =	vadd.f32 v17, v19;
	v12 =	vld [tilespmem:s9+$0x1A960]  }
.LBB2_7:
0xfd: {  	p3 =	sne.s32 s10, $0x9E00;
	v5 =	vadd.f32 v5, v18;
	v11 =	vadd.f32 v11, v16;
	v16 =	vld [tilespmem:s9+$0x1A970]  }
0xfe: {  	v4 =	vadd.f32 v4, v17;
	v10 =	vadd.f32 v10, v15;
	v15 =	vld [tilespmem:s9+$0x10960]  }
0xff: {  	s11 =	sshra.s32 s10, $0x2;
	[tilespmem:s9+$0x1A900] =	vst v5;
	v3 =	vadd.f32 v3, v11;
	v9 =	vadd.f32 v9, v14;
	v11 =	vld [tilespmem:s9+$0x10970]  }
0x100: {  	v5 =	vld [tilespmem:s11+$0x10900];
	[tilespmem:s9+$0x1A910] =	vst v4;
	v2 =	vadd.f32 v2, v10;
	v8 =	vadd.f32 v8, v13  }
0x101: {  	v4 =	vld [tilespmem:s11+$0x10910];
	[tilespmem:s9+$0x1A920] =	vst v3;
	v1 =	vadd.f32 v1, v9;
	v7 =	vadd.f32 v7, v12  }
0x102: {  	v3 =	vld [tilespmem:s11+$0x10920];
	[tilespmem:s9+$0x1A930] =	vst v2;
	v0 =	vadd.f32 v0, v8;
	v6 =	vadd.f32 v6, v16  }
0x103: {  	v2 =	vld [tilespmem:s11+$0x10930];
	[tilespmem:s9+$0x1A940] =	vst v1;
	v7 =	vadd.f32 v15, v7  }
0x104: {  	v1 =	vld [tilespmem:s11+$0x10940];
	[tilespmem:s9+$0x1A950] =	vst v0;
	v6 =	vadd.f32 v11, v6  }
0x105: {  	v0 =	vld [tilespmem:s11+$0x10950];
	[tilespmem:s9+$0x1A960] =	vst v7  }
0x106: {  	v12 =	vld [tilespmem:s11+$0x6900];
	[tilespmem:s9+$0x1A970] =	vst v6;
	s9 =	smov.u32 s11  }
0x107: {  	v17 =	vld [tilespmem:s9+$0x6910]  }
0x108: {  	v11 =	vld [tilespmem:s9+$0x6920]  }
0x109: {  	v10 =	vld [tilespmem:s9+$0x6930]  }
0x10a: {  	v9 =	vld [tilespmem:s9+$0x6940]  }
0x10b: {  	v8 =	vld [tilespmem:s9+$0x6950]  }
0x10c: {  	v7 =	vld [tilespmem:s9+$0x6960]  }
0x10d: {  	v6 =	vld [tilespmem:s9+$0x6970]  }
0x10e: {  	v13 =	vld [tilespmem:s9+$0x1A900]  }
0x10f: {  	v19 =	vld [tilespmem:s9+$0x1A910]  }
.Ltmp6:
0x110: {  	v16 =	vld [tilespmem:s9+$0x1A920];
	(pc) =	sbr.rel @p3 .LBB2_7-.Ltmp6, $4  }
0x111: {  	v15 =	vld [tilespmem:s9+$0x1A930]  }
0x112: {  	v14 =	vld [tilespmem:s9+$0x1A940]  }
0x113: {  	v18 =	vadd.f32 v12, v13;
	v13 =	vld [tilespmem:s9+$0x1A950]  }
0x114: {  	s10 =	sadd.s32 $0x200, s10;
	v17 =	vadd.f32 v17, v19;
	v12 =	vld [tilespmem:s9+$0x1A960]  }
0x115: {  	v5 =	vadd.f32 v5, v18;
	v55 =	vld [tilespmem:s9+$0x1A970];
	v11 =	vadd.f32 v11, v16  }
0x116: {  	v56 =	vld [tilespmem:s9+$0x10960];
	v4 =	vadd.f32 v4, v17;
	v10 =	vadd.f32 v10, v15  }
0x117: {  	v58 =	vld [tilespmem:s9+$0x10970];
	[tilespmem:s9+$0x1A900] =	vst v5;
	v3 =	vadd.f32 v3, v11;
	v57 =	vadd.f32 v9, v14  }
0x118: {  	[tilespmem:s9+$0x1A910] =	vst v4;
	v2 =	vadd.f32 v2, v10;
	v59 =	vadd.f32 v8, v13  }
0x119: {  	[tilespmem:s9+$0x1A920] =	vst v3;
	v1 =	vadd.f32 v1, v57;
	v60 =	vadd.f32 v7, v12  }
0x11a: {  	[tilespmem:s9+$0x1A930] =	vst v2;
	v0 =	vadd.f32 v0, v59;
	v61 =	vadd.f32 v6, v55  }
0x11b: {  	[tilespmem:s9+$0x1A940] =	vst v1;
	v62 =	vadd.f32 v56, v60  }
0x11c: {  	[tilespmem:s9+$0x1A950] =	vst v0;
	v63 =	vadd.f32 v58, v61  }
0x11d: {  	[tilespmem:s9+$0x1A960] =	vst v62  }
0x11e: {  	s16 =	sadd.s32 s5, s16;
	[tilespmem:s9+$0x1A970] =	vst v63;
	s9 =	simm.s32 @!p2 $0x6  }
0x11f: {  	[hbm4b:s16+s6] =	stream.linear.scatter [tilespmem:s30], [sflag:$0x7], $0x2800, $0x38;
	[tilespmem:$0x1F900] =	vst v63  }
0x120: {  	_ =	swait.ge @!p2 [sflag:s9], $0x2800  }
0x121: {  	s10 =	simm.s32 @!p2 $0x50;
	[sflag:s9] =	ssyncset.done @!p2 $0x0  }
0x122: {  	s11 =	simm.s32 @!p2 $0x4100;
	[sflag:s9] =	ssyncadd.s32 @!p2 $0xFFFFD800;
	s9 =	sadd.s32 @!p2 $0x190, s13  }
0x123: {  	[tilespmem:s11], [sflag:$0x2] =	stream.indirect.gather @!p2 [hbm4b:s3+s10], $0x80, s9, s10, $0xb8;
	[tilespmem:$0x1F900] =	vst v63  }
0x124: {  	s11 =	sadd.s32 @!p2 $0xE10, s13;
	s9 =	sadd.s32 @!p2 s7, s9  }
.Ltmp7:
0x125: {  	s13 =	simm.s32 @!p2 $0xE100;
	s9 =	sshll.u32 @!p2 s9, $0x4;
	(pc) =	sbr.rel @p1 .LBB2_12-.Ltmp7, $4  }
0x126: {  	[tilespmem:s13], [sflag:$0x2] =	stream.indirect.gather @!p2 [hbm4b:s4+s10], $0x80, s11, s10, $0xb8;
	[tilespmem:$0x1F900] =	vst v63  }
0x127: {  	s9 =	sand.u32 @!p2 $0xFFFFF80, s9  }
0x128: {  	s10 =	simm.s32 @!p2 $0x0;
	s11 =	simm.s32 @!p2 $0x18100;
	s9 =	sadd.s32 @!p2 s0, s9  }
0x129: {  	[tilespmem:s11], [sflag:$0x2] =	stream.linear.gather @!p2 [hbm4b:s9+s10], $0x2800, $0x38;
	[tilespmem:$0x1F900] =	vst v63  }
0x12a: {  	_ =	swait.ge [sflag:s1], $0x2800  }
0x12b: {  	[sflag:s1] =	ssyncset.done $0x0  }
0x12c: {  	[sflag:s1] =	ssyncadd.s32 $0xFFFFD800  }
0x12d: {  	_ =	swait.ge [sflag:s1], $0x2800  }
0x12e: {  	[sflag:s1] =	ssyncset.done $0x0  }
0x12f: {  	[sflag:s1] =	ssyncadd.s32 $0xFFFFD800  }
0x130: {  	_ =	swait.ge [sflag:s1], $0x2800  }
0x131: {  	[sflag:s1] =	ssyncset.done $0x0  }
0x132: {  	s13 =	simm.s32 $0x0;
	[sflag:s1] =	ssyncadd.s32 $0xFFFFD800  }
0x133: {  	v5 =	vld [tilespmem:s13+$0x13100]  }
0x134: {  	v4 =	vld [tilespmem:s13+$0x13110]  }
0x135: {  	v3 =	vld [tilespmem:s13+$0x13120]  }
0x136: {  	v2 =	vld [tilespmem:s13+$0x13130]  }
0x137: {  	v1 =	vld [tilespmem:s13+$0x13140]  }
0x138: {  	v0 =	vld [tilespmem:s13+$0x13150]  }
0x139: {  	v12 =	vld [tilespmem:s13+$0x9100]  }
0x13a: {  	v17 =	vld [tilespmem:s13+$0x9110]  }
0x13b: {  	v11 =	vld [tilespmem:s13+$0x9120]  }
0x13c: {  	v10 =	vld [tilespmem:s13+$0x9130]  }
0x13d: {  	v9 =	vld [tilespmem:s13+$0x9140]  }
0x13e: {  	v8 =	vld [tilespmem:s13+$0x9150]  }
0x13f: {  	v7 =	vld [tilespmem:s13+$0x9160]  }
0x140: {  	v6 =	vld [tilespmem:s13+$0x9170]  }
0x141: {  	v18 =	vld [tilespmem:s13+$0x1D100]  }
0x142: {  	v19 =	vld [tilespmem:s13+$0x1D110]  }
0x143: {  	v16 =	vld [tilespmem:s13+$0x1D120]  }
0x144: {  	v15 =	vld [tilespmem:s13+$0x1D130]  }
0x145: {  	v14 =	vld [tilespmem:s13+$0x1D140]  }
0x146: {  	v13 =	vld [tilespmem:s13+$0x1D150];
	v18 =	vadd.f32 v12, v18  }
0x147: {  	s9 =	simm.s32 $0x200;
	v17 =	vadd.f32 v17, v19;
	v12 =	vld [tilespmem:s13+$0x1D160]  }
.LBB2_10:
0x148: {  	p1 =	sne.s32 s9, $0x9E00;
	v5 =	vadd.f32 v5, v18;
	v11 =	vadd.f32 v11, v16;
	v16 =	vld [tilespmem:s13+$0x1D170]  }
0x149: {  	v4 =	vadd.f32 v4, v17;
	v10 =	vadd.f32 v10, v15;
	v15 =	vld [tilespmem:s13+$0x13160]  }
0x14a: {  	s10 =	sshra.s32 s9, $0x2;
	[tilespmem:s13+$0x1D100] =	vst v5;
	v3 =	vadd.f32 v3, v11;
	v9 =	vadd.f32 v9, v14;
	v11 =	vld [tilespmem:s13+$0x13170]  }
0x14b: {  	v5 =	vld [tilespmem:s10+$0x13100];
	[tilespmem:s13+$0x1D110] =	vst v4;
	v2 =	vadd.f32 v2, v10;
	v8 =	vadd.f32 v8, v13  }
0x14c: {  	v4 =	vld [tilespmem:s10+$0x13110];
	[tilespmem:s13+$0x1D120] =	vst v3;
	v1 =	vadd.f32 v1, v9;
	v7 =	vadd.f32 v7, v12  }
0x14d: {  	v3 =	vld [tilespmem:s10+$0x13120];
	[tilespmem:s13+$0x1D130] =	vst v2;
	v0 =	vadd.f32 v0, v8;
	v6 =	vadd.f32 v6, v16  }
0x14e: {  	v2 =	vld [tilespmem:s10+$0x13130];
	[tilespmem:s13+$0x1D140] =	vst v1;
	v7 =	vadd.f32 v15, v7  }
0x14f: {  	v1 =	vld [tilespmem:s10+$0x13140];
	[tilespmem:s13+$0x1D150] =	vst v0;
	v6 =	vadd.f32 v11, v6  }
0x150: {  	v0 =	vld [tilespmem:s10+$0x13150];
	[tilespmem:s13+$0x1D160] =	vst v7  }
0x151: {  	v12 =	vld [tilespmem:s10+$0x9100];
	[tilespmem:s13+$0x1D170] =	vst v6;
	s13 =	smov.u32 s10  }
0x152: {  	v17 =	vld [tilespmem:s13+$0x9110]  }
0x153: {  	v11 =	vld [tilespmem:s13+$0x9120]  }
0x154: {  	v10 =	vld [tilespmem:s13+$0x9130]  }
0x155: {  	v9 =	vld [tilespmem:s13+$0x9140]  }
0x156: {  	v8 =	vld [tilespmem:s13+$0x9150]  }
0x157: {  	v7 =	vld [tilespmem:s13+$0x9160]  }
0x158: {  	v6 =	vld [tilespmem:s13+$0x9170]  }
0x159: {  	v13 =	vld [tilespmem:s13+$0x1D100]  }
0x15a: {  	v19 =	vld [tilespmem:s13+$0x1D110]  }
.Ltmp8:
0x15b: {  	v16 =	vld [tilespmem:s13+$0x1D120];
	(pc) =	sbr.rel @p1 .LBB2_10-.Ltmp8, $4  }
0x15c: {  	v15 =	vld [tilespmem:s13+$0x1D130]  }
0x15d: {  	v14 =	vld [tilespmem:s13+$0x1D140]  }
0x15e: {  	v18 =	vadd.f32 v12, v13;
	v13 =	vld [tilespmem:s13+$0x1D150]  }
0x15f: {  	s9 =	sadd.s32 $0x200, s9;
	v17 =	vadd.f32 v17, v19;
	v12 =	vld [tilespmem:s13+$0x1D160]  }
0x160: {  	v5 =	vadd.f32 v5, v18;
	v55 =	vld [tilespmem:s13+$0x1D170];
	v11 =	vadd.f32 v11, v16  }
0x161: {  	v56 =	vld [tilespmem:s13+$0x13160];
	v4 =	vadd.f32 v4, v17;
	v10 =	vadd.f32 v10, v15  }
0x162: {  	v58 =	vld [tilespmem:s13+$0x13170];
	[tilespmem:s13+$0x1D100] =	vst v5;
	v3 =	vadd.f32 v3, v11;
	v57 =	vadd.f32 v9, v14  }
0x163: {  	[tilespmem:s13+$0x1D110] =	vst v4;
	v2 =	vadd.f32 v2, v10;
	v59 =	vadd.f32 v8, v13  }
0x164: {  	s8 =	smul.u32 $0x50, s8;
	[tilespmem:s13+$0x1D120] =	vst v3;
	v1 =	vadd.f32 v1, v57;
	v60 =	vadd.f32 v7, v12  }
0x165: {  	[tilespmem:s13+$0x1D130] =	vst v2;
	v0 =	vadd.f32 v0, v59;
	v61 =	vadd.f32 v6, v55  }
.Ltmp9:
0x166: {  	s8 =	sadd.s32 s7, s8;
	[tilespmem:s13+$0x1D140] =	vst v1;
	v62 =	vadd.f32 v56, v60;
	(pc) =	sbr.rel .LBB2_12-.Ltmp9, $4  }
0x167: {  	s8 =	sshll.u32 s8, $0x4;
	[tilespmem:s13+$0x1D150] =	vst v0;
	v63 =	vadd.f32 v58, v61  }
0x168: {  	s8 =	sand.u32 $0xFFFFF80, s8;
	[tilespmem:s13+$0x1D160] =	vst v62  }
0x169: {  	s8 =	sadd.s32 s5, s8;
	[tilespmem:s13+$0x1D170] =	vst v63  }
0x16a: {  	[hbm4b:s8+s6] =	stream.linear.scatter [tilespmem:s2], [sflag:$0x8], $0x2800, $0x38;
	[tilespmem:$0x1F900] =	vst v63  }
.LBB2_13:
0x16b: {  	_ =	swait.ge [sflag:s23], $0x2800  }
0x16c: {  	[sflag:s23] =	ssyncset.done $0x0  }
0x16d: {  	[sflag:s23] =	ssyncadd.s32 $0xFFFFD800  }
0x16e: {  	_ =	swait.ge [sflag:s24], $0x2800  }
0x16f: {  	[sflag:s24] =	ssyncset.done $0x0  }
0x170: {  	[sflag:s24] =	ssyncadd.s32 $0xFFFFD800  }
0x171: {  	_ =	swait.ge [sflag:s25], $0x2800  }
.Ltmp10:
0x172: {  	[sflag:s25] =	ssyncset.done $0x0;
	(pc) =	sbr.rel @p0 .LBB2_17-.Ltmp10, $4  }
0x173: {  	[sflag:s25] =	ssyncadd.s32 $0xFFFFD800  }
0x174: {  	_ =	swait.ge [sflag:s12], $0x2800  }
0x175: {  	[sflag:s12] =	ssyncset.done $0x0  }
0x176: {  	[sflag:s12] =	ssyncadd.s32 $0xFFFFD800  }
0x177: {  	s8 =	simm.s32 $0x1900;
	s9 =	simm.s32 $0xC30  }
0x178: {  	[tilespmem:s8], [sflag:$0x1] =	stream.indirect.gather [hbm4b:s3+s12], $0x80, s9, s12, $0xb8;
	[tilespmem:$0x1F900] =	vst v63  }
0x179: {  	s13 =	simm.s32 $0xB900;
	s14 =	simm.s32 $0x18B0  }
0x17a: {  	[tilespmem:s13], [sflag:$0x1] =	stream.indirect.gather [hbm4b:s4+s12], $0x80, s14, s12, $0xb8;
	[tilespmem:$0x1F900] =	vst v63  }
0x17b: {  	s16 =	simm.s32 $0x0;
	s21 =	rddreg [dreg:$0xb]  }
0x17c: {  	[tilespmem:s22], [sflag:$0x1] =	stream.linear.gather [hbm4b:s21+s16], $0x400, $0x38;
	[tilespmem:$0x1F900] =	vst v63  }
0x17d: {  	_ =	swait.ge [sflag:s17], $0x400  }
0x17e: {  	[sflag:s17] =	ssyncset.done $0x0  }
0x17f: {  	[sflag:s17] =	ssyncadd.s32 $0xFFFFFC00  }
0x180: {  	_ =	swait.ge [sflag:s17], $0x400  }
0x181: {  	[sflag:s17] =	ssyncset.done $0x0  }
0x182: {  	[sflag:s17] =	ssyncadd.s32 $0xFFFFFC00  }
0x183: {  	_ =	swait.ge [sflag:s17], $0x400  }
0x184: {  	[sflag:s17] =	ssyncset.done $0x0  }
0x185: {  	s8 =	simm.s32 $0x0;
	[sflag:s17] =	ssyncadd.s32 $0xFFFFFC00  }
0x186: {  	v5 =	vld [tilespmem:s8+$0xB900]  }
0x187: {  	v4 =	vld [tilespmem:s8+$0xB910]  }
0x188: {  	v3 =	vld [tilespmem:s8+$0xB920]  }
0x189: {  	v2 =	vld [tilespmem:s8+$0xB930]  }
0x18a: {  	v1 =	vld [tilespmem:s8+$0xB940]  }
0x18b: {  	v0 =	vld [tilespmem:s8+$0xB950]  }
0x18c: {  	v12 =	vld [tilespmem:s8+$0x1900]  }
0x18d: {  	v17 =	vld [tilespmem:s8+$0x1910]  }
0x18e: {  	v11 =	vld [tilespmem:s8+$0x1920]  }
0x18f: {  	v10 =	vld [tilespmem:s8+$0x1930]  }
0x190: {  	v9 =	vld [tilespmem:s8+$0x1940]  }
0x191: {  	v8 =	vld [tilespmem:s8+$0x1950]  }
0x192: {  	v7 =	vld [tilespmem:s8+$0x1960]  }
0x193: {  	v6 =	vld [tilespmem:s8+$0x1970]  }
0x194: {  	v18 =	vld [tilespmem:s8+$0x15900]  }
0x195: {  	v19 =	vld [tilespmem:s8+$0x15910]  }
0x196: {  	v16 =	vld [tilespmem:s8+$0x15920]  }
0x197: {  	v15 =	vld [tilespmem:s8+$0x15930]  }
0x198: {  	v14 =	vld [tilespmem:s8+$0x15940]  }
0x199: {  	v13 =	vld [tilespmem:s8+$0x15950];
	v18 =	vadd.f32 v12, v18  }
0x19a: {  	s9 =	simm.s32 $0x200;
	v17 =	vadd.f32 v17, v19;
	v12 =	vld [tilespmem:s8+$0x15960]  }
.LBB2_15:
0x19b: {  	p1 =	sne.s32 s9, $0xE00;
	v5 =	vadd.f32 v5, v18;
	v11 =	vadd.f32 v11, v16;
	v16 =	vld [tilespmem:s8+$0x15970]  }
0x19c: {  	v4 =	vadd.f32 v4, v17;
	v10 =	vadd.f32 v10, v15;
	v15 =	vld [tilespmem:s8+$0xB960]  }
0x19d: {  	s10 =	sshra.s32 s9, $0x2;
	[tilespmem:s8+$0x15900] =	vst v5;
	v3 =	vadd.f32 v3, v11;
	v9 =	vadd.f32 v9, v14;
	v11 =	vld [tilespmem:s8+$0xB970]  }
0x19e: {  	v5 =	vld [tilespmem:s10+$0xB900];
	[tilespmem:s8+$0x15910] =	vst v4;
	v2 =	vadd.f32 v2, v10;
	v8 =	vadd.f32 v8, v13  }
0x19f: {  	v4 =	vld [tilespmem:s10+$0xB910];
	[tilespmem:s8+$0x15920] =	vst v3;
	v1 =	vadd.f32 v1, v9;
	v7 =	vadd.f32 v7, v12  }
0x1a0: {  	v3 =	vld [tilespmem:s10+$0xB920];
	[tilespmem:s8+$0x15930] =	vst v2;
	v0 =	vadd.f32 v0, v8;
	v6 =	vadd.f32 v6, v16  }
0x1a1: {  	v2 =	vld [tilespmem:s10+$0xB930];
	[tilespmem:s8+$0x15940] =	vst v1;
	v7 =	vadd.f32 v15, v7  }
0x1a2: {  	v1 =	vld [tilespmem:s10+$0xB940];
	[tilespmem:s8+$0x15950] =	vst v0;
	v6 =	vadd.f32 v11, v6  }
0x1a3: {  	v0 =	vld [tilespmem:s10+$0xB950];
	[tilespmem:s8+$0x15960] =	vst v7  }
0x1a4: {  	v12 =	vld [tilespmem:s10+$0x1900];
	[tilespmem:s8+$0x15970] =	vst v6;
	s8 =	smov.u32 s10  }
0x1a5: {  	v17 =	vld [tilespmem:s8+$0x1910]  }
0x1a6: {  	v11 =	vld [tilespmem:s8+$0x1920]  }
0x1a7: {  	v10 =	vld [tilespmem:s8+$0x1930]  }
0x1a8: {  	v9 =	vld [tilespmem:s8+$0x1940]  }
0x1a9: {  	v8 =	vld [tilespmem:s8+$0x1950]  }
0x1aa: {  	v7 =	vld [tilespmem:s8+$0x1960]  }
0x1ab: {  	v6 =	vld [tilespmem:s8+$0x1970]  }
0x1ac: {  	v13 =	vld [tilespmem:s8+$0x15900]  }
0x1ad: {  	v19 =	vld [tilespmem:s8+$0x15910]  }
.Ltmp11:
0x1ae: {  	v16 =	vld [tilespmem:s8+$0x15920];
	(pc) =	sbr.rel @p1 .LBB2_15-.Ltmp11, $4  }
0x1af: {  	v15 =	vld [tilespmem:s8+$0x15930]  }
0x1b0: {  	v14 =	vld [tilespmem:s8+$0x15940]  }
0x1b1: {  	v18 =	vadd.f32 v12, v13;
	v13 =	vld [tilespmem:s8+$0x15950]  }
0x1b2: {  	s9 =	sadd.s32 $0x200, s9;
	v17 =	vadd.f32 v17, v19;
	v12 =	vld [tilespmem:s8+$0x15960]  }
0x1b3: {  	v5 =	vadd.f32 v5, v18;
	v55 =	vld [tilespmem:s8+$0x15970];
	v11 =	vadd.f32 v11, v16  }
0x1b4: {  	v56 =	vld [tilespmem:s8+$0xB960];
	v4 =	vadd.f32 v4, v17;
	v10 =	vadd.f32 v10, v15  }
0x1b5: {  	v58 =	vld [tilespmem:s8+$0xB970];
	[tilespmem:s8+$0x15900] =	vst v5;
	v3 =	vadd.f32 v3, v11;
	v57 =	vadd.f32 v9, v14  }
0x1b6: {  	[tilespmem:s8+$0x15910] =	vst v4;
	v2 =	vadd.f32 v2, v10;
	v59 =	vadd.f32 v8, v13  }
0x1b7: {  	[tilespmem:s8+$0x15920] =	vst v3;
	v1 =	vadd.f32 v1, v57;
	v60 =	vadd.f32 v7, v12  }
0x1b8: {  	[tilespmem:s8+$0x15930] =	vst v2;
	v0 =	vadd.f32 v0, v59;
	v61 =	vadd.f32 v6, v55  }
0x1b9: {  	[tilespmem:s8+$0x15940] =	vst v1;
	v62 =	vadd.f32 v56, v60  }
0x1ba: {  	[tilespmem:s8+$0x15950] =	vst v0;
	v63 =	vadd.f32 v58, v61  }
0x1bb: {  	[tilespmem:s8+$0x15960] =	vst v62  }
.Ltmp12:
0x1bc: {  	s16 =	rddreg [dreg:$0xc];
	s21 =	simm.s32 $0x9;
	[tilespmem:s8+$0x15970] =	vst v63;
	(pc) =	sbr.rel .LBB2_17-.Ltmp12, $4  }
0x1bd: {  	[hbm4b:s16+s6] =	stream.linear.scatter [tilespmem:s22], [sflag:$0x9], $0x400, $0x38;
	[tilespmem:$0x1F900] =	vst v63  }
0x1be: {  	_ =	swait.ge [sflag:s21], $0x400  }
0x1bf: {  	[sflag:s21] =	ssyncset.done $0x0  }
0x1c0: {  	[sflag:s21] =	ssyncadd.s32 $0xFFFFFC00  }
.LBB2_18:
0x1c1: {  	_ =	sfence.sel $0x180000  }
0x1c2: {  	[bflag:$0x0] =	sbarrier.arrive $0xFFFF  }
0x1c3: {  	_ =	strace $0x90000047  }
0x1c4: {  	s0 =	stileid.u32;
	[bflag:$0x2] =	sbarrier.arrive $0xFFFF  }
0x1c5: {  	p0 =	sne.s32 s0, $0x0;
	s0 =	rddreg [dreg:$0x6]  }
0x1c6: {  	s0 =	sadd.s32 @!p0 $0x100000, s0  }
0x1c7: {  	[sflag:s0] =	ssyncadd.tile.s32 @!p0 $0x1;
	_ =	shalt  }
.Lfunc_end2:
_tile_overlayer_lowered:
.L_overlay_start_2:
0x1c8: {  	(tag) =	ssettag $0x2  }
0x1c9: {  	s0 =	rddreg [dreg:$0x0];
	s2 =	stileid.u32  }
0x1ca: {  	s1 =	rddreg [dreg:$0x1];
	p0 =	sne.s32 s2, $0x0  }
0x1cb: {  	s3 =	rddreg [dreg:$0x2];
	[bflag:$0x3] =	sbarrier.arrive $0xFFFF;
	s2 =	simm.s32 @!p0 $0x1C09  }
0x1cc: {  	[timem:s3], [sflag:s2] =	dma.local @!p0 [hbm:s0], s1  }
0x1cd: {  	s0 =	simm.s32 @!p0 $0x9  }
0x1ce: {  	_ =	swait.ge @!p0 [sflag:s0], s1  }
0x1cf: {  	s1 =	ssub.s32 @!p0 $0x0, s1;
	[sflag:s0] =	ssyncset.done @!p0 $0x0  }
0x1d0: {  	[sflag:s0] =	ssyncadd.s32 @!p0 s1  }
0x1d1: {  	[bflag:$0x3] =	sbarrier.arrive $0xFFFF  }
0x1d2: {  	_ =	shalt  }

</sc_bundles>
